<compile_context>
chip_gen: v7x
topology: tpu7x:2x2x1
jax: 0.10.2.dev20260603
libtpu: 0.0.44.dev20260713+nightly
codegen_flags: <defaults>
</compile_context>

<pallas_src>
import functools

import jax
import jax.numpy as jnp
from jax import lax
from jax.experimental import pallas as pl
from jax.experimental.pallas import tpu as pltpu
from jax.experimental.pallas import tpu_sc as plsc

VOCAB = 100000
EMBED_DIM = 64
BATCH = 4096
SEQ = 26
NUM_WORKERS = 32
SLABS_PER_WORKER = BATCH // NUM_WORKERS
GROUP = 16
GROUPS_PER_WORKER = SLABS_PER_WORKER // GROUP

_MESH = plsc.VectorSubcoreMesh(core_axis_name="c", subcore_axis_name="s")


@functools.partial(
    pl.kernel,
    out_type=jax.ShapeDtypeStruct((BATCH, SEQ, EMBED_DIM), jnp.float32),
    mesh=_MESH,
    compiler_params=pltpu.CompilerParams(use_tc_tiling_on_sc=False),
    scratch_types=[
        pltpu.VMEM((SLABS_PER_WORKER, SEQ), jnp.int32),
        pltpu.VMEM((GROUP, SEQ, EMBED_DIM), jnp.float32),
        pltpu.VMEM((GROUP, SEQ, EMBED_DIM), jnp.float32),
        pltpu.SemaphoreType.DMA,
        pltpu.SemaphoreType.DMA,
        pltpu.SemaphoreType.DMA,
        pltpu.SemaphoreType.DMA,
    ],
)
def _gather_kernel(table_hbm, idx_hbm, out_hbm, idx_v, buf0, buf1,
                   g0, g1, w0, w1):
    wid = lax.axis_index("s") * 2 + lax.axis_index("c")
    sbase = wid * SLABS_PER_WORKER

    pltpu.sync_copy(idx_hbm.at[pl.ds(sbase, SLABS_PER_WORKER)], idx_v)

    bufs = (buf0, buf1)
    gsems = (g0, g1)
    wsems = (w0, w1)

    def body(i, _):
        gcopies = [[None] * GROUP, [None] * GROUP]
        for p in range(2):
            g = 2 * i + p

            @pl.when(i > 0)
            def _():
                pltpu.make_async_copy(out_hbm.at[pl.ds(0, GROUP)], bufs[p],
                                      wsems[p]).wait()

            for s in range(GROUP):
                gcopies[p][s] = pltpu.async_copy(
                    table_hbm.at[idx_v.at[g * GROUP + s]],
                    bufs[p].at[s], gsems[p])
        for p in range(2):
            g = 2 * i + p
            for s in range(GROUP):
                gcopies[p][s].wait()
            pltpu.async_copy(bufs[p],
                             out_hbm.at[pl.ds(sbase + g * GROUP, GROUP)],
                             wsems[p])
        return _

    lax.fori_loop(0, GROUPS_PER_WORKER // 2, body, None)

    for p in range(2):
        pltpu.make_async_copy(out_hbm.at[pl.ds(0, GROUP)], bufs[p],
                              wsems[p]).wait()


def kernel(indices, table):
    idx = indices.astype(jnp.int32)
    return _gather_kernel(table, idx)

# --- scband reference (transcript-rebuilt; emitter-appended) ---
"""Pipeline reference for scband-embedding-489626272113 (READ-ONLY COPY).

The authoritative reference and input builder live on the scoring server;
editing this copy changes nothing except your own understanding.
"""

import jax, jax.numpy as jnp
import numpy as np

VOCAB = 100000
EMBED_DIM = 64

def setup_inputs(seed: int = 0) -> dict:
    key = jax.random.key(seed)
    k_idx, k_tab = jax.random.split(key)
    indices = jax.random.randint(k_idx, (4096, 26), 0, VOCAB, dtype=jnp.int64)
    table = jax.random.normal(k_tab, (VOCAB, EMBED_DIM), dtype=jnp.float32) * 0.02
    return {"indices": indices, "table": table}

def reference(indices, table):
    # Embedding lookup: gather rows of the table by index.
    out = jnp.take(table, indices, axis=0)  # [4096, 26, 64]
    return out

if __name__ == "__main__":
    import jax
    _d = setup_inputs()
    print(jax.jit(kernel)(*tuple(_d.values())))

</pallas_src>

<mosaic_0001>
#map = affine_map<(d0, d1) -> (0, 0)>
#map1 = affine_map<(d0, d1) -> (0, 0, 0)>
module attributes {stable_mosaic.version = 14 : i64} {
  func.func @_gather_kernel(%arg0: i32, %arg1: i32, %arg2: memref<100000x64xf32, #tpu.memory_space<hbm>>, %arg3: memref<4096x26xi32, #tpu.memory_space<hbm>>, %arg4: memref<4096x26x64xf32, #tpu.memory_space<hbm>>, %arg5: memref<128x26xi32, #tpu.memory_space<vmem>>, %arg6: memref<16x26x64xf32, #tpu.memory_space<vmem>>, %arg7: memref<16x26x64xf32, #tpu.memory_space<vmem>>, %arg8: memref<!tpu.dma_semaphore, #tpu.memory_space<semaphore_mem>>, %arg9: memref<!tpu.dma_semaphore, #tpu.memory_space<semaphore_mem>>, %arg10: memref<!tpu.dma_semaphore, #tpu.memory_space<semaphore_mem>>, %arg11: memref<!tpu.dma_semaphore, #tpu.memory_space<semaphore_mem>>) attributes {dimension_semantics = [#tpu.dimension_semantics<core_parallel>, #tpu.dimension_semantics<subcore_parallel>], iteration_bounds = array<i64: 2, 16>, scalar_prefetch = 0 : i64, scratch_operands = 7 : i64, tpu.core_type = #tpu.core_type<sc_vector_subcore>, window_params = [{transform_indices = #map}, {transform_indices = #map}, {transform_indices = #map1}]} {
    %mul3A = arith.constant 2 : i32
    %mul3A_0 = arith.muli %arg1, %mul3A : i32
    %add3A = arith.addi %mul3A_0, %arg0 : i32
    %mul3A_1 = arith.constant 128 : i32
    %mul3A_2 = arith.muli %add3A, %mul3A_1 : i32
    "tpu.region"() ({
      %run_scoped3A = tpu.sem_alloc : memref<!tpu.dma_semaphore, #tpu.memory_space<semaphore_mem>>
      %dma_start3A = arith.constant 0 : i32
      %dma_start3A_22 = tpu.memref_slice %arg3[%mul3A_2, %dma_start3A] : memref<4096x26xi32, #tpu.memory_space<hbm>> -> memref<128x26xi32, #tpu.memory_space<hbm>>
      %dma_start3A_23 = arith.constant 0 : i32
      %dma_start3A_24 = tpu.memref_slice %arg3[%mul3A_2, %dma_start3A_23] : memref<4096x26xi32, #tpu.memory_space<hbm>> -> memref<128x26xi32, #tpu.memory_space<hbm>>
      tpu.enqueue_dma source(%dma_start3A_24 : memref<128x26xi32, #tpu.memory_space<hbm>>) target(%arg5 : memref<128x26xi32, #tpu.memory_space<vmem>>) target_semaphore(%run_scoped3A : memref<!tpu.dma_semaphore, #tpu.memory_space<semaphore_mem>>)
      %dma_wait3A_25 = arith.constant 0 : i32
      %dma_wait3A_26 = tpu.memref_slice %arg3[%mul3A_2, %dma_wait3A_25] : memref<4096x26xi32, #tpu.memory_space<hbm>> -> memref<128x26xi32, #tpu.memory_space<hbm>>
      %dma_wait3A_27 = arith.constant 0 : i32
      %dma_wait3A_28 = tpu.memref_slice %arg3[%mul3A_2, %dma_wait3A_27] : memref<4096x26xi32, #tpu.memory_space<hbm>> -> memref<128x26xi32, #tpu.memory_space<hbm>>
      tpu.wait_dma2 semaphore(%run_scoped3A : memref<!tpu.dma_semaphore, #tpu.memory_space<semaphore_mem>>) src(%dma_wait3A_28 : memref<128x26xi32, #tpu.memory_space<hbm>>) dst(%arg5 : memref<128x26xi32, #tpu.memory_space<vmem>>)
      tpu.yield
    }) : () -> ()
    %scan3A = arith.constant 0 : i32
    %scan3A_3 = arith.constant 4 : i32
    %scan3A_4 = arith.addi %scan3A, %scan3A_3 : i32
    %scan3A_5 = arith.constant 1 : i32
    scf.for %scan3A_22 = %scan3A to %scan3A_4 step %scan3A_5  : i32 {
      %mul3A_23 = arith.constant 2 : i32
      %mul3A_24 = arith.muli %mul3A_23, %scan3A_22 : i32
      %add3A_25 = arith.constant 0 : i32
      %add3A_26 = arith.addi %mul3A_24, %add3A_25 : i32
      %gt3A = arith.constant 0 : i32
      %gt3A_27 = arith.cmpi sgt, %scan3A_22, %gt3A : i32
      %convert_element_type3A = arith.extui %gt3A_27 : i1 to i32
      %cond3A = arith.constant 0 : i32
      %cond3A_28 = arith.cmpi ne, %convert_element_type3A, %cond3A : i32
      scf.if %cond3A_28 {
        %dma_wait3A_895 = arith.constant 0 : i32
        %dma_wait3A_896 = arith.constant 0 : i32
        %dma_wait3A_897 = arith.constant 0 : i32
        %dma_wait3A_898 = tpu.memref_slice %arg4[%dma_wait3A_895, %dma_wait3A_896, %dma_wait3A_897] : memref<4096x26x64xf32, #tpu.memory_space<hbm>> -> memref<16x26x64xf32, #tpu.memory_space<hbm>>
        %dma_wait3A_899 = arith.constant 0 : i32
        %dma_wait3A_900 = arith.constant 0 : i32
        %dma_wait3A_901 = arith.constant 0 : i32
        %dma_wait3A_902 = tpu.memref_slice %arg4[%dma_wait3A_899, %dma_wait3A_900, %dma_wait3A_901] : memref<4096x26x64xf32, #tpu.memory_space<hbm>> -> memref<16x26x64xf32, #tpu.memory_space<hbm>>
        tpu.wait_dma2 semaphore(%arg10 : memref<!tpu.dma_semaphore, #tpu.memory_space<semaphore_mem>>) src(%dma_wait3A_902 : memref<16x26x64xf32, #tpu.memory_space<hbm>>) dst(%arg6 : memref<16x26x64xf32, #tpu.memory_space<vmem>>)
      } else {
      }
      %mul3A_29 = arith.constant 16 : i32
      %mul3A_30 = arith.muli %add3A_26, %mul3A_29 : i32
      %add3A_31 = arith.constant 0 : i32
      %add3A_32 = arith.addi %mul3A_30, %add3A_31 : i32
      %dma_start3A = arith.constant 0 : i32
      %dma_start3A_33 = arith.constant 0 : i32
      %dma_start3A_34 = arith.constant 0 : i32
      %dma_start3A_35 = tpu.memref_slice %arg6[%dma_start3A, %dma_start3A_33, %dma_start3A_34] : memref<16x26x64xf32, #tpu.memory_space<vmem>> -> memref<1x26x64xf32, #tpu.memory_space<vmem>>
      %dma_start3A_36 = tpu.memref_squeeze %dma_start3A_35 : memref<1x26x64xf32, #tpu.memory_space<vmem>> -> memref<26x64xf32, #tpu.memory_space<vmem>>
      %dma_start3A_37 = arith.constant 0 : i32
      %dma_start3A_38 = tpu.memref_slice %arg5[%add3A_32, %dma_start3A_37] : memref<128x26xi32, #tpu.memory_space<vmem>> -> memref<1x26xi32, #tpu.memory_space<vmem>>
      %dma_start3A_39 = tpu.memref_squeeze %dma_start3A_38 : memref<1x26xi32, #tpu.memory_space<vmem>> -> memref<26xi32, #tpu.memory_space<vmem>>
      %dma_start3A_40 = arith.constant 0 : i32
      %dma_start3A_41 = arith.constant 0 : i32
      %dma_start3A_42 = tpu.memref_slice %arg2[%dma_start3A_40, %dma_start3A_41] : memref<100000x64xf32, #tpu.memory_space<hbm>> -> memref<100000x64xf32, #tpu.memory_space<hbm>>
      tpu.enqueue_indirect_dma source(%dma_start3A_42 : memref<100000x64xf32, #tpu.memory_space<hbm>>) target(%dma_start3A_36 : memref<26x64xf32, #tpu.memory_space<vmem>>) offsets(%dma_start3A_39 : memref<26xi32, #tpu.memory_space<vmem>>) semaphore(%arg8 : memref<!tpu.dma_semaphore, #tpu.memory_space<semaphore_mem>>)
      %mul3A_43 = arith.constant 16 : i32
      %mul3A_44 = arith.muli %add3A_26, %mul3A_43 : i32
      %add3A_45 = arith.constant 1 : i32
      %add3A_46 = arith.addi %mul3A_44, %add3A_45 : i32
      %dma_start3A_47 = arith.constant 1 : i32
      %dma_start3A_48 = arith.constant 0 : i32
      %dma_start3A_49 = arith.constant 0 : i32
      %dma_start3A_50 = tpu.memref_slice %arg6[%dma_start3A_47, %dma_start3A_48, %dma_start3A_49] : memref<16x26x64xf32, #tpu.memory_space<vmem>> -> memref<1x26x64xf32, #tpu.memory_space<vmem>>
      %dma_start3A_51 = tpu.memref_squeeze %dma_start3A_50 : memref<1x26x64xf32, #tpu.memory_space<vmem>> -> memref<26x64xf32, #tpu.memory_space<vmem>>
      %dma_start3A_52 = arith.constant 0 : i32
      %dma_start3A_53 = tpu.memref_slice %arg5[%add3A_46, %dma_start3A_52] : memref<128x26xi32, #tpu.memory_space<vmem>> -> memref<1x26xi32, #tpu.memory_space<vmem>>
      %dma_start3A_54 = tpu.memref_squeeze %dma_start3A_53 : memref<1x26xi32, #tpu.memory_space<vmem>> -> memref<26xi32, #tpu.memory_space<vmem>>
      %dma_start3A_55 = arith.constant 0 : i32
      %dma_start3A_56 = arith.constant 0 : i32
      %dma_start3A_57 = tpu.memref_slice %arg2[%dma_start3A_55, %dma_start3A_56] : memref<100000x64xf32, #tpu.memory_space<hbm>> -> memref<100000x64xf32, #tpu.memory_space<hbm>>
      tpu.enqueue_indirect_dma source(%dma_start3A_57 : memref<100000x64xf32, #tpu.memory_space<hbm>>) target(%dma_start3A_51 : memref<26x64xf32, #tpu.memory_space<vmem>>) offsets(%dma_start3A_54 : memref<26xi32, #tpu.memory_space<vmem>>) semaphore(%arg8 : memref<!tpu.dma_semaphore, #tpu.memory_space<semaphore_mem>>)
      %mul3A_58 = arith.constant 16 : i32
      %mul3A_59 = arith.muli %add3A_26, %mul3A_58 : i32
      %add3A_60 = arith.constant 2 : i32
      %add3A_61 = arith.addi %mul3A_59, %add3A_60 : i32
      %dma_start3A_62 = arith.constant 2 : i32
      %dma_start3A_63 = arith.constant 0 : i32
      %dma_start3A_64 = arith.constant 0 : i32
      %dma_start3A_65 = tpu.memref_slice %arg6[%dma_start3A_62, %dma_start3A_63, %dma_start3A_64] : memref<16x26x64xf32, #tpu.memory_space<vmem>> -> memref<1x26x64xf32, #tpu.memory_space<vmem>>
      %dma_start3A_66 = tpu.memref_squeeze %dma_start3A_65 : memref<1x26x64xf32, #tpu.memory_space<vmem>> -> memref<26x64xf32, #tpu.memory_space<vmem>>
      %dma_start3A_67 = arith.constant 0 : i32
      %dma_start3A_68 = tpu.memref_slice %arg5[%add3A_61, %dma_start3A_67] : memref<128x26xi32, #tpu.memory_space<vmem>> -> memref<1x26xi32, #tpu.memory_space<vmem>>
      %dma_start3A_69 = tpu.memref_squeeze %dma_start3A_68 : memref<1x26xi32, #tpu.memory_space<vmem>> -> memref<26xi32, #tpu.memory_space<vmem>>
      %dma_start3A_70 = arith.constant 0 : i32
      %dma_start3A_71 = arith.constant 0 : i32
      %dma_start3A_72 = tpu.memref_slice %arg2[%dma_start3A_70, %dma_start3A_71] : memref<100000x64xf32, #tpu.memory_space<hbm>> -> memref<100000x64xf32, #tpu.memory_space<hbm>>
      tpu.enqueue_indirect_dma source(%dma_start3A_72 : memref<100000x64xf32, #tpu.memory_space<hbm>>) target(%dma_start3A_66 : memref<26x64xf32, #tpu.memory_space<vmem>>) offsets(%dma_start3A_69 : memref<26xi32, #tpu.memory_space<vmem>>) semaphore(%arg8 : memref<!tpu.dma_semaphore, #tpu.memory_space<semaphore_mem>>)
      %mul3A_73 = arith.constant 16 : i32
      %mul3A_74 = arith.muli %add3A_26, %mul3A_73 : i32
      %add3A_75 = arith.constant 3 : i32
      %add3A_76 = arith.addi %mul3A_74, %add3A_75 : i32
      %dma_start3A_77 = arith.constant 3 : i32
      %dma_start3A_78 = arith.constant 0 : i32
      %dma_start3A_79 = arith.constant 0 : i32
      %dma_start3A_80 = tpu.memref_slice %arg6[%dma_start3A_77, %dma_start3A_78, %dma_start3A_79] : memref<16x26x64xf32, #tpu.memory_space<vmem>> -> memref<1x26x64xf32, #tpu.memory_space<vmem>>
      %dma_start3A_81 = tpu.memref_squeeze %dma_start3A_80 : memref<1x26x64xf32, #tpu.memory_space<vmem>> -> memref<26x64xf32, #tpu.memory_space<vmem>>
      %dma_start3A_82 = arith.constant 0 : i32
      %dma_start3A_83 = tpu.memref_slice %arg5[%add3A_76, %dma_start3A_82] : memref<128x26xi32, #tpu.memory_space<vmem>> -> memref<1x26xi32, #tpu.memory_space<vmem>>
      %dma_start3A_84 = tpu.memref_squeeze %dma_start3A_83 : memref<1x26xi32, #tpu.memory_space<vmem>> -> memref<26xi32, #tpu.memory_space<vmem>>
      %dma_start3A_85 = arith.constant 0 : i32
      %dma_start3A_86 = arith.constant 0 : i32
      %dma_start3A_87 = tpu.memref_slice %arg2[%dma_start3A_85, %dma_start3A_86] : memref<100000x64xf32, #tpu.memory_space<hbm>> -> memref<100000x64xf32, #tpu.memory_space<hbm>>
      tpu.enqueue_indirect_dma source(%dma_start3A_87 : memref<100000x64xf32, #tpu.memory_space<hbm>>) target(%dma_start3A_81 : memref<26x64xf32, #tpu.memory_space<vmem>>) offsets(%dma_start3A_84 : memref<26xi32, #tpu.memory_space<vmem>>) semaphore(%arg8 : memref<!tpu.dma_semaphore, #tpu.memory_space<semaphore_mem>>)
      %mul3A_88 = arith.constant 16 : i32
      %mul3A_89 = arith.muli %add3A_26, %mul3A_88 : i32
      %add3A_90 = arith.constant 4 : i32
      %add3A_91 = arith.addi %mul3A_89, %add3A_90 : i32
      %dma_start3A_92 = arith.constant 4 : i32
      %dma_start3A_93 = arith.constant 0 : i32
      %dma_start3A_94 = arith.constant 0 : i32
      %dma_start3A_95 = tpu.memref_slice %arg6[%dma_start3A_92, %dma_start3A_93, %dma_start3A_94] : memref<16x26x64xf32, #tpu.memory_space<vmem>> -> memref<1x26x64xf32, #tpu.memory_space<vmem>>
      %dma_start3A_96 = tpu.memref_squeeze %dma_start3A_95 : memref<1x26x64xf32, #tpu.memory_space<vmem>> -> memref<26x64xf32, #tpu.memory_space<vmem>>
      %dma_start3A_97 = arith.constant 0 : i32
      %dma_start3A_98 = tpu.memref_slice %arg5[%add3A_91, %dma_start3A_97] : memref<128x26xi32, #tpu.memory_space<vmem>> -> memref<1x26xi32, #tpu.memory_space<vmem>>
      %dma_start3A_99 = tpu.memref_squeeze %dma_start3A_98 : memref<1x26xi32, #tpu.memory_space<vmem>> -> memref<26xi32, #tpu.memory_space<vmem>>
      %dma_start3A_100 = arith.constant 0 : i32
      %dma_start3A_101 = arith.constant 0 : i32
      %dma_start3A_102 = tpu.memref_slice %arg2[%dma_start3A_100, %dma_start3A_101] : memref<100000x64xf32, #tpu.memory_space<hbm>> -> memref<100000x64xf32, #tpu.memory_space<hbm>>
      tpu.enqueue_indirect_dma source(%dma_start3A_102 : memref<100000x64xf32, #tpu.memory_space<hbm>>) target(%dma_start3A_96 : memref<26x64xf32, #tpu.memory_space<vmem>>) offsets(%dma_start3A_99 : memref<26xi32, #tpu.memory_space<vmem>>) semaphore(%arg8 : memref<!tpu.dma_semaphore, #tpu.memory_space<semaphore_mem>>)
      %mul3A_103 = arith.constant 16 : i32
      %mul3A_104 = arith.muli %add3A_26, %mul3A_103 : i32
      %add3A_105 = arith.constant 5 : i32
      %add3A_106 = arith.addi %mul3A_104, %add3A_105 : i32
      %dma_start3A_107 = arith.constant 5 : i32
      %dma_start3A_108 = arith.constant 0 : i32
      %dma_start3A_109 = arith.constant 0 : i32
      %dma_start3A_110 = tpu.memref_slice %arg6[%dma_start3A_107, %dma_start3A_108, %dma_start3A_109] : memref<16x26x64xf32, #tpu.memory_space<vmem>> -> memref<1x26x64xf32, #tpu.memory_space<vmem>>
      %dma_start3A_111 = tpu.memref_squeeze %dma_start3A_110 : memref<1x26x64xf32, #tpu.memory_space<vmem>> -> memref<26x64xf32, #tpu.memory_space<vmem>>
      %dma_start3A_112 = arith.constant 0 : i32
      %dma_start3A_113 = tpu.memref_slice %arg5[%add3A_106, %dma_start3A_112] : memref<128x26xi32, #tpu.memory_space<vmem>> -> memref<1x26xi32, #tpu.memory_space<vmem>>
      %dma_start3A_114 = tpu.memref_squeeze %dma_start3A_113 : memref<1x26xi32, #tpu.memory_space<vmem>> -> memref<26xi32, #tpu.memory_space<vmem>>
      %dma_start3A_115 = arith.constant 0 : i32
      %dma_start3A_116 = arith.constant 0 : i32
      %dma_start3A_117 = tpu.memref_slice %arg2[%dma_start3A_115, %dma_start3A_116] : memref<100000x64xf32, #tpu.memory_space<hbm>> -> memref<100000x64xf32, #tpu.memory_space<hbm>>
      tpu.enqueue_indirect_dma source(%dma_start3A_117 : memref<100000x64xf32, #tpu.memory_space<hbm>>) target(%dma_start3A_111 : memref<26x64xf32, #tpu.memory_space<vmem>>) offsets(%dma_start3A_114 : memref<26xi32, #tpu.memory_space<vmem>>) semaphore(%arg8 : memref<!tpu.dma_semaphore, #tpu.memory_space<semaphore_mem>>)
      %mul3A_118 = arith.constant 16 : i32
      %mul3A_119 = arith.muli %add3A_26, %mul3A_118 : i32
      %add3A_120 = arith.constant 6 : i32
      %add3A_121 = arith.addi %mul3A_119, %add3A_120 : i32
      %dma_start3A_122 = arith.constant 6 : i32
      %dma_start3A_123 = arith.constant 0 : i32
      %dma_start3A_124 = arith.constant 0 : i32
      %dma_start3A_125 = tpu.memref_slice %arg6[%dma_start3A_122, %dma_start3A_123, %dma_start3A_124] : memref<16x26x64xf32, #tpu.memory_space<vmem>> -> memref<1x26x64xf32, #tpu.memory_space<vmem>>
      %dma_start3A_126 = tpu.memref_squeeze %dma_start3A_125 : memref<1x26x64xf32, #tpu.memory_space<vmem>> -> memref<26x64xf32, #tpu.memory_space<vmem>>
      %dma_start3A_127 = arith.constant 0 : i32
      %dma_start3A_128 = tpu.memref_slice %arg5[%add3A_121, %dma_start3A_127] : memref<128x26xi32, #tpu.memory_space<vmem>> -> memref<1x26xi32, #tpu.memory_space<vmem>>
      %dma_start3A_129 = tpu.memref_squeeze %dma_start3A_128 : memref<1x26xi32, #tpu.memory_space<vmem>> -> memref<26xi32, #tpu.memory_space<vmem>>
      %dma_start3A_130 = arith.constant 0 : i32
      %dma_start3A_131 = arith.constant 0 : i32
      %dma_start3A_132 = tpu.memref_slice %arg2[%dma_start3A_130, %dma_start3A_131] : memref<100000x64xf32, #tpu.memory_space<hbm>> -> memref<100000x64xf32, #tpu.memory_space<hbm>>
      tpu.enqueue_indirect_dma source(%dma_start3A_132 : memref<100000x64xf32, #tpu.memory_space<hbm>>) target(%dma_start3A_126 : memref<26x64xf32, #tpu.memory_space<vmem>>) offsets(%dma_start3A_129 : memref<26xi32, #tpu.memory_space<vmem>>) semaphore(%arg8 : memref<!tpu.dma_semaphore, #tpu.memory_space<semaphore_mem>>)
      %mul3A_133 = arith.constant 16 : i32
      %mul3A_134 = arith.muli %add3A_26, %mul3A_133 : i32
      %add3A_135 = arith.constant 7 : i32
      %add3A_136 = arith.addi %mul3A_134, %add3A_135 : i32
      %dma_start3A_137 = arith.constant 7 : i32
      %dma_start3A_138 = arith.constant 0 : i32
      %dma_start3A_139 = arith.constant 0 : i32
      %dma_start3A_140 = tpu.memref_slice %arg6[%dma_start3A_137, %dma_start3A_138, %dma_start3A_139] : memref<16x26x64xf32, #tpu.memory_space<vmem>> -> memref<1x26x64xf32, #tpu.memory_space<vmem>>
      %dma_start3A_141 = tpu.memref_squeeze %dma_start3A_140 : memref<1x26x64xf32, #tpu.memory_space<vmem>> -> memref<26x64xf32, #tpu.memory_space<vmem>>
      %dma_start3A_142 = arith.constant 0 : i32
      %dma_start3A_143 = tpu.memref_slice %arg5[%add3A_136, %dma_start3A_142] : memref<128x26xi32, #tpu.memory_space<vmem>> -> memref<1x26xi32, #tpu.memory_space<vmem>>
      %dma_start3A_144 = tpu.memref_squeeze %dma_start3A_143 : memref<1x26xi32, #tpu.memory_space<vmem>> -> memref<26xi32, #tpu.memory_space<vmem>>
      %dma_start3A_145 = arith.constant 0 : i32
      %dma_start3A_146 = arith.constant 0 : i32
      %dma_start3A_147 = tpu.memref_slice %arg2[%dma_start3A_145, %dma_start3A_146] : memref<100000x64xf32, #tpu.memory_space<hbm>> -> memref<100000x64xf32, #tpu.memory_space<hbm>>
      tpu.enqueue_indirect_dma source(%dma_start3A_147 : memref<100000x64xf32, #tpu.memory_space<hbm>>) target(%dma_start3A_141 : memref<26x64xf32, #tpu.memory_space<vmem>>) offsets(%dma_start3A_144 : memref<26xi32, #tpu.memory_space<vmem>>) semaphore(%arg8 : memref<!tpu.dma_semaphore, #tpu.memory_space<semaphore_mem>>)
      %mul3A_148 = arith.constant 16 : i32
      %mul3A_149 = arith.muli %add3A_26, %mul3A_148 : i32
      %add3A_150 = arith.constant 8 : i32
      %add3A_151 = arith.addi %mul3A_149, %add3A_150 : i32
      %dma_start3A_152 = arith.constant 8 : i32
      %dma_start3A_153 = arith.constant 0 : i32
      %dma_start3A_154 = arith.constant 0 : i32
      %dma_start3A_155 = tpu.memref_slice %arg6[%dma_start3A_152, %dma_start3A_153, %dma_start3A_154] : memref<16x26x64xf32, #tpu.memory_space<vmem>> -> memref<1x26x64xf32, #tpu.memory_space<vmem>>
      %dma_start3A_156 = tpu.memref_squeeze %dma_start3A_155 : memref<1x26x64xf32, #tpu.memory_space<vmem>> -> memref<26x64xf32, #tpu.memory_space<vmem>>
      %dma_start3A_157 = arith.constant 0 : i32
      %dma_start3A_158 = tpu.memref_slice %arg5[%add3A_151, %dma_start3A_157] : memref<128x26xi32, #tpu.memory_space<vmem>> -> memref<1x26xi32, #tpu.memory_space<vmem>>
      %dma_start3A_159 = tpu.memref_squeeze %dma_start3A_158 : memref<1x26xi32, #tpu.memory_space<vmem>> -> memref<26xi32, #tpu.memory_space<vmem>>
      %dma_start3A_160 = arith.constant 0 : i32
      %dma_start3A_161 = arith.constant 0 : i32
      %dma_start3A_162 = tpu.memref_slice %arg2[%dma_start3A_160, %dma_start3A_161] : memref<100000x64xf32, #tpu.memory_space<hbm>> -> memref<100000x64xf32, #tpu.memory_space<hbm>>
      tpu.enqueue_indirect_dma source(%dma_start3A_162 : memref<100000x64xf32, #tpu.memory_space<hbm>>) target(%dma_start3A_156 : memref<26x64xf32, #tpu.memory_space<vmem>>) offsets(%dma_start3A_159 : memref<26xi32, #tpu.memory_space<vmem>>) semaphore(%arg8 : memref<!tpu.dma_semaphore, #tpu.memory_space<semaphore_mem>>)
      %mul3A_163 = arith.constant 16 : i32
      %mul3A_164 = arith.muli %add3A_26, %mul3A_163 : i32
      %add3A_165 = arith.constant 9 : i32
      %add3A_166 = arith.addi %mul3A_164, %add3A_165 : i32
      %dma_start3A_167 = arith.constant 9 : i32
      %dma_start3A_168 = arith.constant 0 : i32
      %dma_start3A_169 = arith.constant 0 : i32
      %dma_start3A_170 = tpu.memref_slice %arg6[%dma_start3A_167, %dma_start3A_168, %dma_start3A_169] : memref<16x26x64xf32, #tpu.memory_space<vmem>> -> memref<1x26x64xf32, #tpu.memory_space<vmem>>
      %dma_start3A_171 = tpu.memref_squeeze %dma_start3A_170 : memref<1x26x64xf32, #tpu.memory_space<vmem>> -> memref<26x64xf32, #tpu.memory_space<vmem>>
      %dma_start3A_172 = arith.constant 0 : i32
      %dma_start3A_173 = tpu.memref_slice %arg5[%add3A_166, %dma_start3A_172] : memref<128x26xi32, #tpu.memory_space<vmem>> -> memref<1x26xi32, #tpu.memory_space<vmem>>
      %dma_start3A_174 = tpu.memref_squeeze %dma_start3A_173 : memref<1x26xi32, #tpu.memory_space<vmem>> -> memref<26xi32, #tpu.memory_space<vmem>>
      %dma_start3A_175 = arith.constant 0 : i32
      %dma_start3A_176 = arith.constant 0 : i32
      %dma_start3A_177 = tpu.memref_slice %arg2[%dma_start3A_175, %dma_start3A_176] : memref<100000x64xf32, #tpu.memory_space<hbm>> -> memref<100000x64xf32, #tpu.memory_space<hbm>>
      tpu.enqueue_indirect_dma source(%dma_start3A_177 : memref<100000x64xf32, #tpu.memory_space<hbm>>) target(%dma_start3A_171 : memref<26x64xf32, #tpu.memory_space<vmem>>) offsets(%dma_start3A_174 : memref<26xi32, #tpu.memory_space<vmem>>) semaphore(%arg8 : memref<!tpu.dma_semaphore, #tpu.memory_space<semaphore_mem>>)
      %mul3A_178 = arith.constant 16 : i32
      %mul3A_179 = arith.muli %add3A_26, %mul3A_178 : i32
      %add3A_180 = arith.constant 10 : i32
      %add3A_181 = arith.addi %mul3A_179, %add3A_180 : i32
      %dma_start3A_182 = arith.constant 10 : i32
      %dma_start3A_183 = arith.constant 0 : i32
      %dma_start3A_184 = arith.constant 0 : i32
      %dma_start3A_185 = tpu.memref_slice %arg6[%dma_start3A_182, %dma_start3A_183, %dma_start3A_184] : memref<16x26x64xf32, #tpu.memory_space<vmem>> -> memref<1x26x64xf32, #tpu.memory_space<vmem>>
      %dma_start3A_186 = tpu.memref_squeeze %dma_start3A_185 : memref<1x26x64xf32, #tpu.memory_space<vmem>> -> memref<26x64xf32, #tpu.memory_space<vmem>>
      %dma_start3A_187 = arith.constant 0 : i32
      %dma_start3A_188 = tpu.memref_slice %arg5[%add3A_181, %dma_start3A_187] : memref<128x26xi32, #tpu.memory_space<vmem>> -> memref<1x26xi32, #tpu.memory_space<vmem>>
      %dma_start3A_189 = tpu.memref_squeeze %dma_start3A_188 : memref<1x26xi32, #tpu.memory_space<vmem>> -> memref<26xi32, #tpu.memory_space<vmem>>
      %dma_start3A_190 = arith.constant 0 : i32
      %dma_start3A_191 = arith.constant 0 : i32
      %dma_start3A_192 = tpu.memref_slice %arg2[%dma_start3A_190, %dma_start3A_191] : memref<100000x64xf32, #tpu.memory_space<hbm>> -> memref<100000x64xf32, #tpu.memory_space<hbm>>
      tpu.enqueue_indirect_dma source(%dma_start3A_192 : memref<100000x64xf32, #tpu.memory_space<hbm>>) target(%dma_start3A_186 : memref<26x64xf32, #tpu.memory_space<vmem>>) offsets(%dma_start3A_189 : memref<26xi32, #tpu.memory_space<vmem>>) semaphore(%arg8 : memref<!tpu.dma_semaphore, #tpu.memory_space<semaphore_mem>>)
      %mul3A_193 = arith.constant 16 : i32
      %mul3A_194 = arith.muli %add3A_26, %mul3A_193 : i32
      %add3A_195 = arith.constant 11 : i32
      %add3A_196 = arith.addi %mul3A_194, %add3A_195 : i32
      %dma_start3A_197 = arith.constant 11 : i32
      %dma_start3A_198 = arith.constant 0 : i32
      %dma_start3A_199 = arith.constant 0 : i32
      %dma_start3A_200 = tpu.memref_slice %arg6[%dma_start3A_197, %dma_start3A_198, %dma_start3A_199] : memref<16x26x64xf32, #tpu.memory_space<vmem>> -> memref<1x26x64xf32, #tpu.memory_space<vmem>>
      %dma_start3A_201 = tpu.memref_squeeze %dma_start3A_200 : memref<1x26x64xf32, #tpu.memory_space<vmem>> -> memref<26x64xf32, #tpu.memory_space<vmem>>
      %dma_start3A_202 = arith.constant 0 : i32
      %dma_start3A_203 = tpu.memref_slice %arg5[%add3A_196, %dma_start3A_202] : memref<128x26xi32, #tpu.memory_space<vmem>> -> memref<1x26xi32, #tpu.memory_space<vmem>>
      %dma_start3A_204 = tpu.memref_squeeze %dma_start3A_203 : memref<1x26xi32, #tpu.memory_space<vmem>> -> memref<26xi32, #tpu.memory_space<vmem>>
      %dma_start3A_205 = arith.constant 0 : i32
      %dma_start3A_206 = arith.constant 0 : i32
      %dma_start3A_207 = tpu.memref_slice %arg2[%dma_start3A_205, %dma_start3A_206] : memref<100000x64xf32, #tpu.memory_space<hbm>> -> memref<100000x64xf32, #tpu.memory_space<hbm>>
      tpu.enqueue_indirect_dma source(%dma_start3A_207 : memref<100000x64xf32, #tpu.memory_space<hbm>>) target(%dma_start3A_201 : memref<26x64xf32, #tpu.memory_space<vmem>>) offsets(%dma_start3A_204 : memref<26xi32, #tpu.memory_space<vmem>>) semaphore(%arg8 : memref<!tpu.dma_semaphore, #tpu.memory_space<semaphore_mem>>)
      %mul3A_208 = arith.constant 16 : i32
      %mul3A_209 = arith.muli %add3A_26, %mul3A_208 : i32
      %add3A_210 = arith.constant 12 : i32
      %add3A_211 = arith.addi %mul3A_209, %add3A_210 : i32
      %dma_start3A_212 = arith.constant 12 : i32
      %dma_start3A_213 = arith.constant 0 : i32
      %dma_start3A_214 = arith.constant 0 : i32
      %dma_start3A_215 = tpu.memref_slice %arg6[%dma_start3A_212, %dma_start3A_213, %dma_start3A_214] : memref<16x26x64xf32, #tpu.memory_space<vmem>> -> memref<1x26x64xf32, #tpu.memory_space<vmem>>
      %dma_start3A_216 = tpu.memref_squeeze %dma_start3A_215 : memref<1x26x64xf32, #tpu.memory_space<vmem>> -> memref<26x64xf32, #tpu.memory_space<vmem>>
      %dma_start3A_217 = arith.constant 0 : i32
      %dma_start3A_218 = tpu.memref_slice %arg5[%add3A_211, %dma_start3A_217] : memref<128x26xi32, #tpu.memory_space<vmem>> -> memref<1x26xi32, #tpu.memory_space<vmem>>
      %dma_start3A_219 = tpu.memref_squeeze %dma_start3A_218 : memref<1x26xi32, #tpu.memory_space<vmem>> -> memref<26xi32, #tpu.memory_space<vmem>>
      %dma_start3A_220 = arith.constant 0 : i32
      %dma_start3A_221 = arith.constant 0 : i32
      %dma_start3A_222 = tpu.memref_slice %arg2[%dma_start3A_220, %dma_start3A_221] : memref<100000x64xf32, #tpu.memory_space<hbm>> -> memref<100000x64xf32, #tpu.memory_space<hbm>>
      tpu.enqueue_indirect_dma source(%dma_start3A_222 : memref<100000x64xf32, #tpu.memory_space<hbm>>) target(%dma_start3A_216 : memref<26x64xf32, #tpu.memory_space<vmem>>) offsets(%dma_start3A_219 : memref<26xi32, #tpu.memory_space<vmem>>) semaphore(%arg8 : memref<!tpu.dma_semaphore, #tpu.memory_space<semaphore_mem>>)
      %mul3A_223 = arith.constant 16 : i32
      %mul3A_224 = arith.muli %add3A_26, %mul3A_223 : i32
      %add3A_225 = arith.constant 13 : i32
      %add3A_226 = arith.addi %mul3A_224, %add3A_225 : i32
      %dma_start3A_227 = arith.constant 13 : i32
      %dma_start3A_228 = arith.constant 0 : i32
      %dma_start3A_229 = arith.constant 0 : i32
      %dma_start3A_230 = tpu.memref_slice %arg6[%dma_start3A_227, %dma_start3A_228, %dma_start3A_229] : memref<16x26x64xf32, #tpu.memory_space<vmem>> -> memref<1x26x64xf32, #tpu.memory_space<vmem>>
      %dma_start3A_231 = tpu.memref_squeeze %dma_start3A_230 : memref<1x26x64xf32, #tpu.memory_space<vmem>> -> memref<26x64xf32, #tpu.memory_space<vmem>>
      %dma_start3A_232 = arith.constant 0 : i32
      %dma_start3A_233 = tpu.memref_slice %arg5[%add3A_226, %dma_start3A_232] : memref<128x26xi32, #tpu.memory_space<vmem>> -> memref<1x26xi32, #tpu.memory_space<vmem>>
      %dma_start3A_234 = tpu.memref_squeeze %dma_start3A_233 : memref<1x26xi32, #tpu.memory_space<vmem>> -> memref<26xi32, #tpu.memory_space<vmem>>
      %dma_start3A_235 = arith.constant 0 : i32
      %dma_start3A_236 = arith.constant 0 : i32
      %dma_start3A_237 = tpu.memref_slice %arg2[%dma_start3A_235, %dma_start3A_236] : memref<100000x64xf32, #tpu.memory_space<hbm>> -> memref<100000x64xf32, #tpu.memory_space<hbm>>
      tpu.enqueue_indirect_dma source(%dma_start3A_237 : memref<100000x64xf32, #tpu.memory_space<hbm>>) target(%dma_start3A_231 : memref<26x64xf32, #tpu.memory_space<vmem>>) offsets(%dma_start3A_234 : memref<26xi32, #tpu.memory_space<vmem>>) semaphore(%arg8 : memref<!tpu.dma_semaphore, #tpu.memory_space<semaphore_mem>>)
      %mul3A_238 = arith.constant 16 : i32
      %mul3A_239 = arith.muli %add3A_26, %mul3A_238 : i32
      %add3A_240 = arith.constant 14 : i32
      %add3A_241 = arith.addi %mul3A_239, %add3A_240 : i32
      %dma_start3A_242 = arith.constant 14 : i32
      %dma_start3A_243 = arith.constant 0 : i32
      %dma_start3A_244 = arith.constant 0 : i32
      %dma_start3A_245 = tpu.memref_slice %arg6[%dma_start3A_242, %dma_start3A_243, %dma_start3A_244] : memref<16x26x64xf32, #tpu.memory_space<vmem>> -> memref<1x26x64xf32, #tpu.memory_space<vmem>>
      %dma_start3A_246 = tpu.memref_squeeze %dma_start3A_245 : memref<1x26x64xf32, #tpu.memory_space<vmem>> -> memref<26x64xf32, #tpu.memory_space<vmem>>
      %dma_start3A_247 = arith.constant 0 : i32
      %dma_start3A_248 = tpu.memref_slice %arg5[%add3A_241, %dma_start3A_247] : memref<128x26xi32, #tpu.memory_space<vmem>> -> memref<1x26xi32, #tpu.memory_space<vmem>>
      %dma_start3A_249 = tpu.memref_squeeze %dma_start3A_248 : memref<1x26xi32, #tpu.memory_space<vmem>> -> memref<26xi32, #tpu.memory_space<vmem>>
      %dma_start3A_250 = arith.constant 0 : i32
      %dma_start3A_251 = arith.constant 0 : i32
      %dma_start3A_252 = tpu.memref_slice %arg2[%dma_start3A_250, %dma_start3A_251] : memref<100000x64xf32, #tpu.memory_space<hbm>> -> memref<100000x64xf32, #tpu.memory_space<hbm>>
      tpu.enqueue_indirect_dma source(%dma_start3A_252 : memref<100000x64xf32, #tpu.memory_space<hbm>>) target(%dma_start3A_246 : memref<26x64xf32, #tpu.memory_space<vmem>>) offsets(%dma_start3A_249 : memref<26xi32, #tpu.memory_space<vmem>>) semaphore(%arg8 : memref<!tpu.dma_semaphore, #tpu.memory_space<semaphore_mem>>)
      %mul3A_253 = arith.constant 16 : i32
      %mul3A_254 = arith.muli %add3A_26, %mul3A_253 : i32
      %add3A_255 = arith.constant 15 : i32
      %add3A_256 = arith.addi %mul3A_254, %add3A_255 : i32
      %dma_start3A_257 = arith.constant 15 : i32
      %dma_start3A_258 = arith.constant 0 : i32
      %dma_start3A_259 = arith.constant 0 : i32
      %dma_start3A_260 = tpu.memref_slice %arg6[%dma_start3A_257, %dma_start3A_258, %dma_start3A_259] : memref<16x26x64xf32, #tpu.memory_space<vmem>> -> memref<1x26x64xf32, #tpu.memory_space<vmem>>
      %dma_start3A_261 = tpu.memref_squeeze %dma_start3A_260 : memref<1x26x64xf32, #tpu.memory_space<vmem>> -> memref<26x64xf32, #tpu.memory_space<vmem>>
      %dma_start3A_262 = arith.constant 0 : i32
      %dma_start3A_263 = tpu.memref_slice %arg5[%add3A_256, %dma_start3A_262] : memref<128x26xi32, #tpu.memory_space<vmem>> -> memref<1x26xi32, #tpu.memory_space<vmem>>
      %dma_start3A_264 = tpu.memref_squeeze %dma_start3A_263 : memref<1x26xi32, #tpu.memory_space<vmem>> -> memref<26xi32, #tpu.memory_space<vmem>>
      %dma_start3A_265 = arith.constant 0 : i32
      %dma_start3A_266 = arith.constant 0 : i32
      %dma_start3A_267 = tpu.memref_slice %arg2[%dma_start3A_265, %dma_start3A_266] : memref<100000x64xf32, #tpu.memory_space<hbm>> -> memref<100000x64xf32, #tpu.memory_space<hbm>>
      tpu.enqueue_indirect_dma source(%dma_start3A_267 : memref<100000x64xf32, #tpu.memory_space<hbm>>) target(%dma_start3A_261 : memref<26x64xf32, #tpu.memory_space<vmem>>) offsets(%dma_start3A_264 : memref<26xi32, #tpu.memory_space<vmem>>) semaphore(%arg8 : memref<!tpu.dma_semaphore, #tpu.memory_space<semaphore_mem>>)
      %mul3A_268 = arith.constant 2 : i32
      %mul3A_269 = arith.muli %mul3A_268, %scan3A_22 : i32
      %add3A_270 = arith.constant 1 : i32
      %add3A_271 = arith.addi %mul3A_269, %add3A_270 : i32
      %gt3A_272 = arith.constant 0 : i32
      %gt3A_273 = arith.cmpi sgt, %scan3A_22, %gt3A_272 : i32
      %convert_element_type3A_274 = arith.extui %gt3A_273 : i1 to i32
      %cond3A_275 = arith.constant 0 : i32
      %cond3A_276 = arith.cmpi ne, %convert_element_type3A_274, %cond3A_275 : i32
      scf.if %cond3A_276 {
        %dma_wait3A_895 = arith.constant 0 : i32
        %dma_wait3A_896 = arith.constant 0 : i32
        %dma_wait3A_897 = arith.constant 0 : i32
        %dma_wait3A_898 = tpu.memref_slice %arg4[%dma_wait3A_895, %dma_wait3A_896, %dma_wait3A_897] : memref<4096x26x64xf32, #tpu.memory_space<hbm>> -> memref<16x26x64xf32, #tpu.memory_space<hbm>>
        %dma_wait3A_899 = arith.constant 0 : i32
        %dma_wait3A_900 = arith.constant 0 : i32
        %dma_wait3A_901 = arith.constant 0 : i32
        %dma_wait3A_902 = tpu.memref_slice %arg4[%dma_wait3A_899, %dma_wait3A_900, %dma_wait3A_901] : memref<4096x26x64xf32, #tpu.memory_space<hbm>> -> memref<16x26x64xf32, #tpu.memory_space<hbm>>
        tpu.wait_dma2 semaphore(%arg11 : memref<!tpu.dma_semaphore, #tpu.memory_space<semaphore_mem>>) src(%dma_wait3A_902 : memref<16x26x64xf32, #tpu.memory_space<hbm>>) dst(%arg7 : memref<16x26x64xf32, #tpu.memory_space<vmem>>)
      } else {
      }
      %mul3A_277 = arith.constant 16 : i32
      %mul3A_278 = arith.muli %add3A_271, %mul3A_277 : i32
      %add3A_279 = arith.constant 0 : i32
      %add3A_280 = arith.addi %mul3A_278, %add3A_279 : i32
      %dma_start3A_281 = arith.constant 0 : i32
      %dma_start3A_282 = arith.constant 0 : i32
      %dma_start3A_283 = arith.constant 0 : i32
      %dma_start3A_284 = tpu.memref_slice %arg7[%dma_start3A_281, %dma_start3A_282, %dma_start3A_283] : memref<16x26x64xf32, #tpu.memory_space<vmem>> -> memref<1x26x64xf32, #tpu.memory_space<vmem>>
      %dma_start3A_285 = tpu.memref_squeeze %dma_start3A_284 : memref<1x26x64xf32, #tpu.memory_space<vmem>> -> memref<26x64xf32, #tpu.memory_space<vmem>>
      %dma_start3A_286 = arith.constant 0 : i32
      %dma_start3A_287 = tpu.memref_slice %arg5[%add3A_280, %dma_start3A_286] : memref<128x26xi32, #tpu.memory_space<vmem>> -> memref<1x26xi32, #tpu.memory_space<vmem>>
      %dma_start3A_288 = tpu.memref_squeeze %dma_start3A_287 : memref<1x26xi32, #tpu.memory_space<vmem>> -> memref<26xi32, #tpu.memory_space<vmem>>
      %dma_start3A_289 = arith.constant 0 : i32
      %dma_start3A_290 = arith.constant 0 : i32
      %dma_start3A_291 = tpu.memref_slice %arg2[%dma_start3A_289, %dma_start3A_290] : memref<100000x64xf32, #tpu.memory_space<hbm>> -> memref<100000x64xf32, #tpu.memory_space<hbm>>
      tpu.enqueue_indirect_dma source(%dma_start3A_291 : memref<100000x64xf32, #tpu.memory_space<hbm>>) target(%dma_start3A_285 : memref<26x64xf32, #tpu.memory_space<vmem>>) offsets(%dma_start3A_288 : memref<26xi32, #tpu.memory_space<vmem>>) semaphore(%arg9 : memref<!tpu.dma_semaphore, #tpu.memory_space<semaphore_mem>>)
      %mul3A_292 = arith.constant 16 : i32
      %mul3A_293 = arith.muli %add3A_271, %mul3A_292 : i32
      %add3A_294 = arith.constant 1 : i32
      %add3A_295 = arith.addi %mul3A_293, %add3A_294 : i32
      %dma_start3A_296 = arith.constant 1 : i32
      %dma_start3A_297 = arith.constant 0 : i32
      %dma_start3A_298 = arith.constant 0 : i32
      %dma_start3A_299 = tpu.memref_slice %arg7[%dma_start3A_296, %dma_start3A_297, %dma_start3A_298] : memref<16x26x64xf32, #tpu.memory_space<vmem>> -> memref<1x26x64xf32, #tpu.memory_space<vmem>>
      %dma_start3A_300 = tpu.memref_squeeze %dma_start3A_299 : memref<1x26x64xf32, #tpu.memory_space<vmem>> -> memref<26x64xf32, #tpu.memory_space<vmem>>
      %dma_start3A_301 = arith.constant 0 : i32
      %dma_start3A_302 = tpu.memref_slice %arg5[%add3A_295, %dma_start3A_301] : memref<128x26xi32, #tpu.memory_space<vmem>> -> memref<1x26xi32, #tpu.memory_space<vmem>>
      %dma_start3A_303 = tpu.memref_squeeze %dma_start3A_302 : memref<1x26xi32, #tpu.memory_space<vmem>> -> memref<26xi32, #tpu.memory_space<vmem>>
      %dma_start3A_304 = arith.constant 0 : i32
      %dma_start3A_305 = arith.constant 0 : i32
      %dma_start3A_306 = tpu.memref_slice %arg2[%dma_start3A_304, %dma_start3A_305] : memref<100000x64xf32, #tpu.memory_space<hbm>> -> memref<100000x64xf32, #tpu.memory_space<hbm>>
      tpu.enqueue_indirect_dma source(%dma_start3A_306 : memref<100000x64xf32, #tpu.memory_space<hbm>>) target(%dma_start3A_300 : memref<26x64xf32, #tpu.memory_space<vmem>>) offsets(%dma_start3A_303 : memref<26xi32, #tpu.memory_space<vmem>>) semaphore(%arg9 : memref<!tpu.dma_semaphore, #tpu.memory_space<semaphore_mem>>)
      %mul3A_307 = arith.constant 16 : i32
      %mul3A_308 = arith.muli %add3A_271, %mul3A_307 : i32
      %add3A_309 = arith.constant 2 : i32
      %add3A_310 = arith.addi %mul3A_308, %add3A_309 : i32
      %dma_start3A_311 = arith.constant 2 : i32
      %dma_start3A_312 = arith.constant 0 : i32
      %dma_start3A_313 = arith.constant 0 : i32
      %dma_start3A_314 = tpu.memref_slice %arg7[%dma_start3A_311, %dma_start3A_312, %dma_start3A_313] : memref<16x26x64xf32, #tpu.memory_space<vmem>> -> memref<1x26x64xf32, #tpu.memory_space<vmem>>
      %dma_start3A_315 = tpu.memref_squeeze %dma_start3A_314 : memref<1x26x64xf32, #tpu.memory_space<vmem>> -> memref<26x64xf32, #tpu.memory_space<vmem>>
      %dma_start3A_316 = arith.constant 0 : i32
      %dma_start3A_317 = tpu.memref_slice %arg5[%add3A_310, %dma_start3A_316] : memref<128x26xi32, #tpu.memory_space<vmem>> -> memref<1x26xi32, #tpu.memory_space<vmem>>
      %dma_start3A_318 = tpu.memref_squeeze %dma_start3A_317 : memref<1x26xi32, #tpu.memory_space<vmem>> -> memref<26xi32, #tpu.memory_space<vmem>>
      %dma_start3A_319 = arith.constant 0 : i32
      %dma_start3A_320 = arith.constant 0 : i32
      %dma_start3A_321 = tpu.memref_slice %arg2[%dma_start3A_319, %dma_start3A_320] : memref<100000x64xf32, #tpu.memory_space<hbm>> -> memref<100000x64xf32, #tpu.memory_space<hbm>>
      tpu.enqueue_indirect_dma source(%dma_start3A_321 : memref<100000x64xf32, #tpu.memory_space<hbm>>) target(%dma_start3A_315 : memref<26x64xf32, #tpu.memory_space<vmem>>) offsets(%dma_start3A_318 : memref<26xi32, #tpu.memory_space<vmem>>) semaphore(%arg9 : memref<!tpu.dma_semaphore, #tpu.memory_space<semaphore_mem>>)
      %mul3A_322 = arith.constant 16 : i32
      %mul3A_323 = arith.muli %add3A_271, %mul3A_322 : i32
      %add3A_324 = arith.constant 3 : i32
      %add3A_325 = arith.addi %mul3A_323, %add3A_324 : i32
      %dma_start3A_326 = arith.constant 3 : i32
      %dma_start3A_327 = arith.constant 0 : i32
      %dma_start3A_328 = arith.constant 0 : i32
      %dma_start3A_329 = tpu.memref_slice %arg7[%dma_start3A_326, %dma_start3A_327, %dma_start3A_328] : memref<16x26x64xf32, #tpu.memory_space<vmem>> -> memref<1x26x64xf32, #tpu.memory_space<vmem>>
      %dma_start3A_330 = tpu.memref_squeeze %dma_start3A_329 : memref<1x26x64xf32, #tpu.memory_space<vmem>> -> memref<26x64xf32, #tpu.memory_space<vmem>>
      %dma_start3A_331 = arith.constant 0 : i32
      %dma_start3A_332 = tpu.memref_slice %arg5[%add3A_325, %dma_start3A_331] : memref<128x26xi32, #tpu.memory_space<vmem>> -> memref<1x26xi32, #tpu.memory_space<vmem>>
      %dma_start3A_333 = tpu.memref_squeeze %dma_start3A_332 : memref<1x26xi32, #tpu.memory_space<vmem>> -> memref<26xi32, #tpu.memory_space<vmem>>
      %dma_start3A_334 = arith.constant 0 : i32
      %dma_start3A_335 = arith.constant 0 : i32
      %dma_start3A_336 = tpu.memref_slice %arg2[%dma_start3A_334, %dma_start3A_335] : memref<100000x64xf32, #tpu.memory_space<hbm>> -> memref<100000x64xf32, #tpu.memory_space<hbm>>
      tpu.enqueue_indirect_dma source(%dma_start3A_336 : memref<100000x64xf32, #tpu.memory_space<hbm>>) target(%dma_start3A_330 : memref<26x64xf32, #tpu.memory_space<vmem>>) offsets(%dma_start3A_333 : memref<26xi32, #tpu.memory_space<vmem>>) semaphore(%arg9 : memref<!tpu.dma_semaphore, #tpu.memory_space<semaphore_mem>>)
      %mul3A_337 = arith.constant 16 : i32
      %mul3A_338 = arith.muli %add3A_271, %mul3A_337 : i32
      %add3A_339 = arith.constant 4 : i32
      %add3A_340 = arith.addi %mul3A_338, %add3A_339 : i32
      %dma_start3A_341 = arith.constant 4 : i32
      %dma_start3A_342 = arith.constant 0 : i32
      %dma_start3A_343 = arith.constant 0 : i32
      %dma_start3A_344 = tpu.memref_slice %arg7[%dma_start3A_341, %dma_start3A_342, %dma_start3A_343] : memref<16x26x64xf32, #tpu.memory_space<vmem>> -> memref<1x26x64xf32, #tpu.memory_space<vmem>>
      %dma_start3A_345 = tpu.memref_squeeze %dma_start3A_344 : memref<1x26x64xf32, #tpu.memory_space<vmem>> -> memref<26x64xf32, #tpu.memory_space<vmem>>
      %dma_start3A_346 = arith.constant 0 : i32
      %dma_start3A_347 = tpu.memref_slice %arg5[%add3A_340, %dma_start3A_346] : memref<128x26xi32, #tpu.memory_space<vmem>> -> memref<1x26xi32, #tpu.memory_space<vmem>>
      %dma_start3A_348 = tpu.memref_squeeze %dma_start3A_347 : memref<1x26xi32, #tpu.memory_space<vmem>> -> memref<26xi32, #tpu.memory_space<vmem>>
      %dma_start3A_349 = arith.constant 0 : i32
      %dma_start3A_350 = arith.constant 0 : i32
      %dma_start3A_351 = tpu.memref_slice %arg2[%dma_start3A_349, %dma_start3A_350] : memref<100000x64xf32, #tpu.memory_space<hbm>> -> memref<100000x64xf32, #tpu.memory_space<hbm>>
      tpu.enqueue_indirect_dma source(%dma_start3A_351 : memref<100000x64xf32, #tpu.memory_space<hbm>>) target(%dma_start3A_345 : memref<26x64xf32, #tpu.memory_space<vmem>>) offsets(%dma_start3A_348 : memref<26xi32, #tpu.memory_space<vmem>>) semaphore(%arg9 : memref<!tpu.dma_semaphore, #tpu.memory_space<semaphore_mem>>)
      %mul3A_352 = arith.constant 16 : i32
      %mul3A_353 = arith.muli %add3A_271, %mul3A_352 : i32
      %add3A_354 = arith.constant 5 : i32
      %add3A_355 = arith.addi %mul3A_353, %add3A_354 : i32
      %dma_start3A_356 = arith.constant 5 : i32
      %dma_start3A_357 = arith.constant 0 : i32
      %dma_start3A_358 = arith.constant 0 : i32
      %dma_start3A_359 = tpu.memref_slice %arg7[%dma_start3A_356, %dma_start3A_357, %dma_start3A_358] : memref<16x26x64xf32, #tpu.memory_space<vmem>> -> memref<1x26x64xf32, #tpu.memory_space<vmem>>
      %dma_start3A_360 = tpu.memref_squeeze %dma_start3A_359 : memref<1x26x64xf32, #tpu.memory_space<vmem>> -> memref<26x64xf32, #tpu.memory_space<vmem>>
      %dma_start3A_361 = arith.constant 0 : i32
      %dma_start3A_362 = tpu.memref_slice %arg5[%add3A_355, %dma_start3A_361] : memref<128x26xi32, #tpu.memory_space<vmem>> -> memref<1x26xi32, #tpu.memory_space<vmem>>
      %dma_start3A_363 = tpu.memref_squeeze %dma_start3A_362 : memref<1x26xi32, #tpu.memory_space<vmem>> -> memref<26xi32, #tpu.memory_space<vmem>>
      %dma_start3A_364 = arith.constant 0 : i32
      %dma_start3A_365 = arith.constant 0 : i32
      %dma_start3A_366 = tpu.memref_slice %arg2[%dma_start3A_364, %dma_start3A_365] : memref<100000x64xf32, #tpu.memory_space<hbm>> -> memref<100000x64xf32, #tpu.memory_space<hbm>>
      tpu.enqueue_indirect_dma source(%dma_start3A_366 : memref<100000x64xf32, #tpu.memory_space<hbm>>) target(%dma_start3A_360 : memref<26x64xf32, #tpu.memory_space<vmem>>) offsets(%dma_start3A_363 : memref<26xi32, #tpu.memory_space<vmem>>) semaphore(%arg9 : memref<!tpu.dma_semaphore, #tpu.memory_space<semaphore_mem>>)
      %mul3A_367 = arith.constant 16 : i32
      %mul3A_368 = arith.muli %add3A_271, %mul3A_367 : i32
      %add3A_369 = arith.constant 6 : i32
      %add3A_370 = arith.addi %mul3A_368, %add3A_369 : i32
      %dma_start3A_371 = arith.constant 6 : i32
      %dma_start3A_372 = arith.constant 0 : i32
      %dma_start3A_373 = arith.constant 0 : i32
      %dma_start3A_374 = tpu.memref_slice %arg7[%dma_start3A_371, %dma_start3A_372, %dma_start3A_373] : memref<16x26x64xf32, #tpu.memory_space<vmem>> -> memref<1x26x64xf32, #tpu.memory_space<vmem>>
      %dma_start3A_375 = tpu.memref_squeeze %dma_start3A_374 : memref<1x26x64xf32, #tpu.memory_space<vmem>> -> memref<26x64xf32, #tpu.memory_space<vmem>>
      %dma_start3A_376 = arith.constant 0 : i32
      %dma_start3A_377 = tpu.memref_slice %arg5[%add3A_370, %dma_start3A_376] : memref<128x26xi32, #tpu.memory_space<vmem>> -> memref<1x26xi32, #tpu.memory_space<vmem>>
      %dma_start3A_378 = tpu.memref_squeeze %dma_start3A_377 : memref<1x26xi32, #tpu.memory_space<vmem>> -> memref<26xi32, #tpu.memory_space<vmem>>
      %dma_start3A_379 = arith.constant 0 : i32
      %dma_start3A_380 = arith.constant 0 : i32
      %dma_start3A_381 = tpu.memref_slice %arg2[%dma_start3A_379, %dma_start3A_380] : memref<100000x64xf32, #tpu.memory_space<hbm>> -> memref<100000x64xf32, #tpu.memory_space<hbm>>
      tpu.enqueue_indirect_dma source(%dma_start3A_381 : memref<100000x64xf32, #tpu.memory_space<hbm>>) target(%dma_start3A_375 : memref<26x64xf32, #tpu.memory_space<vmem>>) offsets(%dma_start3A_378 : memref<26xi32, #tpu.memory_space<vmem>>) semaphore(%arg9 : memref<!tpu.dma_semaphore, #tpu.memory_space<semaphore_mem>>)
      %mul3A_382 = arith.constant 16 : i32
      %mul3A_383 = arith.muli %add3A_271, %mul3A_382 : i32
      %add3A_384 = arith.constant 7 : i32
      %add3A_385 = arith.addi %mul3A_383, %add3A_384 : i32
      %dma_start3A_386 = arith.constant 7 : i32
      %dma_start3A_387 = arith.constant 0 : i32
      %dma_start3A_388 = arith.constant 0 : i32
      %dma_start3A_389 = tpu.memref_slice %arg7[%dma_start3A_386, %dma_start3A_387, %dma_start3A_388] : memref<16x26x64xf32, #tpu.memory_space<vmem>> -> memref<1x26x64xf32, #tpu.memory_space<vmem>>
      %dma_start3A_390 = tpu.memref_squeeze %dma_start3A_389 : memref<1x26x64xf32, #tpu.memory_space<vmem>> -> memref<26x64xf32, #tpu.memory_space<vmem>>
      %dma_start3A_391 = arith.constant 0 : i32
      %dma_start3A_392 = tpu.memref_slice %arg5[%add3A_385, %dma_start3A_391] : memref<128x26xi32, #tpu.memory_space<vmem>> -> memref<1x26xi32, #tpu.memory_space<vmem>>
      %dma_start3A_393 = tpu.memref_squeeze %dma_start3A_392 : memref<1x26xi32, #tpu.memory_space<vmem>> -> memref<26xi32, #tpu.memory_space<vmem>>
      %dma_start3A_394 = arith.constant 0 : i32
      %dma_start3A_395 = arith.constant 0 : i32
      %dma_start3A_396 = tpu.memref_slice %arg2[%dma_start3A_394, %dma_start3A_395] : memref<100000x64xf32, #tpu.memory_space<hbm>> -> memref<100000x64xf32, #tpu.memory_space<hbm>>
      tpu.enqueue_indirect_dma source(%dma_start3A_396 : memref<100000x64xf32, #tpu.memory_space<hbm>>) target(%dma_start3A_390 : memref<26x64xf32, #tpu.memory_space<vmem>>) offsets(%dma_start3A_393 : memref<26xi32, #tpu.memory_space<vmem>>) semaphore(%arg9 : memref<!tpu.dma_semaphore, #tpu.memory_space<semaphore_mem>>)
      %mul3A_397 = arith.constant 16 : i32
      %mul3A_398 = arith.muli %add3A_271, %mul3A_397 : i32
      %add3A_399 = arith.constant 8 : i32
      %add3A_400 = arith.addi %mul3A_398, %add3A_399 : i32
      %dma_start3A_401 = arith.constant 8 : i32
      %dma_start3A_402 = arith.constant 0 : i32
      %dma_start3A_403 = arith.constant 0 : i32
      %dma_start3A_404 = tpu.memref_slice %arg7[%dma_start3A_401, %dma_start3A_402, %dma_start3A_403] : memref<16x26x64xf32, #tpu.memory_space<vmem>> -> memref<1x26x64xf32, #tpu.memory_space<vmem>>
      %dma_start3A_405 = tpu.memref_squeeze %dma_start3A_404 : memref<1x26x64xf32, #tpu.memory_space<vmem>> -> memref<26x64xf32, #tpu.memory_space<vmem>>
      %dma_start3A_406 = arith.constant 0 : i32
      %dma_start3A_407 = tpu.memref_slice %arg5[%add3A_400, %dma_start3A_406] : memref<128x26xi32, #tpu.memory_space<vmem>> -> memref<1x26xi32, #tpu.memory_space<vmem>>
      %dma_start3A_408 = tpu.memref_squeeze %dma_start3A_407 : memref<1x26xi32, #tpu.memory_space<vmem>> -> memref<26xi32, #tpu.memory_space<vmem>>
      %dma_start3A_409 = arith.constant 0 : i32
      %dma_start3A_410 = arith.constant 0 : i32
      %dma_start3A_411 = tpu.memref_slice %arg2[%dma_start3A_409, %dma_start3A_410] : memref<100000x64xf32, #tpu.memory_space<hbm>> -> memref<100000x64xf32, #tpu.memory_space<hbm>>
      tpu.enqueue_indirect_dma source(%dma_start3A_411 : memref<100000x64xf32, #tpu.memory_space<hbm>>) target(%dma_start3A_405 : memref<26x64xf32, #tpu.memory_space<vmem>>) offsets(%dma_start3A_408 : memref<26xi32, #tpu.memory_space<vmem>>) semaphore(%arg9 : memref<!tpu.dma_semaphore, #tpu.memory_space<semaphore_mem>>)
      %mul3A_412 = arith.constant 16 : i32
      %mul3A_413 = arith.muli %add3A_271, %mul3A_412 : i32
      %add3A_414 = arith.constant 9 : i32
      %add3A_415 = arith.addi %mul3A_413, %add3A_414 : i32
      %dma_start3A_416 = arith.constant 9 : i32
      %dma_start3A_417 = arith.constant 0 : i32
      %dma_start3A_418 = arith.constant 0 : i32
      %dma_start3A_419 = tpu.memref_slice %arg7[%dma_start3A_416, %dma_start3A_417, %dma_start3A_418] : memref<16x26x64xf32, #tpu.memory_space<vmem>> -> memref<1x26x64xf32, #tpu.memory_space<vmem>>
      %dma_start3A_420 = tpu.memref_squeeze %dma_start3A_419 : memref<1x26x64xf32, #tpu.memory_space<vmem>> -> memref<26x64xf32, #tpu.memory_space<vmem>>
      %dma_start3A_421 = arith.constant 0 : i32
      %dma_start3A_422 = tpu.memref_slice %arg5[%add3A_415, %dma_start3A_421] : memref<128x26xi32, #tpu.memory_space<vmem>> -> memref<1x26xi32, #tpu.memory_space<vmem>>
      %dma_start3A_423 = tpu.memref_squeeze %dma_start3A_422 : memref<1x26xi32, #tpu.memory_space<vmem>> -> memref<26xi32, #tpu.memory_space<vmem>>
      %dma_start3A_424 = arith.constant 0 : i32
      %dma_start3A_425 = arith.constant 0 : i32
      %dma_start3A_426 = tpu.memref_slice %arg2[%dma_start3A_424, %dma_start3A_425] : memref<100000x64xf32, #tpu.memory_space<hbm>> -> memref<100000x64xf32, #tpu.memory_space<hbm>>
      tpu.enqueue_indirect_dma source(%dma_start3A_426 : memref<100000x64xf32, #tpu.memory_space<hbm>>) target(%dma_start3A_420 : memref<26x64xf32, #tpu.memory_space<vmem>>) offsets(%dma_start3A_423 : memref<26xi32, #tpu.memory_space<vmem>>) semaphore(%arg9 : memref<!tpu.dma_semaphore, #tpu.memory_space<semaphore_mem>>)
      %mul3A_427 = arith.constant 16 : i32
      %mul3A_428 = arith.muli %add3A_271, %mul3A_427 : i32
      %add3A_429 = arith.constant 10 : i32
      %add3A_430 = arith.addi %mul3A_428, %add3A_429 : i32
      %dma_start3A_431 = arith.constant 10 : i32
      %dma_start3A_432 = arith.constant 0 : i32
      %dma_start3A_433 = arith.constant 0 : i32
      %dma_start3A_434 = tpu.memref_slice %arg7[%dma_start3A_431, %dma_start3A_432, %dma_start3A_433] : memref<16x26x64xf32, #tpu.memory_space<vmem>> -> memref<1x26x64xf32, #tpu.memory_space<vmem>>
      %dma_start3A_435 = tpu.memref_squeeze %dma_start3A_434 : memref<1x26x64xf32, #tpu.memory_space<vmem>> -> memref<26x64xf32, #tpu.memory_space<vmem>>
      %dma_start3A_436 = arith.constant 0 : i32
      %dma_start3A_437 = tpu.memref_slice %arg5[%add3A_430, %dma_start3A_436] : memref<128x26xi32, #tpu.memory_space<vmem>> -> memref<1x26xi32, #tpu.memory_space<vmem>>
      %dma_start3A_438 = tpu.memref_squeeze %dma_start3A_437 : memref<1x26xi32, #tpu.memory_space<vmem>> -> memref<26xi32, #tpu.memory_space<vmem>>
      %dma_start3A_439 = arith.constant 0 : i32
      %dma_start3A_440 = arith.constant 0 : i32
      %dma_start3A_441 = tpu.memref_slice %arg2[%dma_start3A_439, %dma_start3A_440] : memref<100000x64xf32, #tpu.memory_space<hbm>> -> memref<100000x64xf32, #tpu.memory_space<hbm>>
      tpu.enqueue_indirect_dma source(%dma_start3A_441 : memref<100000x64xf32, #tpu.memory_space<hbm>>) target(%dma_start3A_435 : memref<26x64xf32, #tpu.memory_space<vmem>>) offsets(%dma_start3A_438 : memref<26xi32, #tpu.memory_space<vmem>>) semaphore(%arg9 : memref<!tpu.dma_semaphore, #tpu.memory_space<semaphore_mem>>)
      %mul3A_442 = arith.constant 16 : i32
      %mul3A_443 = arith.muli %add3A_271, %mul3A_442 : i32
      %add3A_444 = arith.constant 11 : i32
      %add3A_445 = arith.addi %mul3A_443, %add3A_444 : i32
      %dma_start3A_446 = arith.constant 11 : i32
      %dma_start3A_447 = arith.constant 0 : i32
      %dma_start3A_448 = arith.constant 0 : i32
      %dma_start3A_449 = tpu.memref_slice %arg7[%dma_start3A_446, %dma_start3A_447, %dma_start3A_448] : memref<16x26x64xf32, #tpu.memory_space<vmem>> -> memref<1x26x64xf32, #tpu.memory_space<vmem>>
      %dma_start3A_450 = tpu.memref_squeeze %dma_start3A_449 : memref<1x26x64xf32, #tpu.memory_space<vmem>> -> memref<26x64xf32, #tpu.memory_space<vmem>>
      %dma_start3A_451 = arith.constant 0 : i32
      %dma_start3A_452 = tpu.memref_slice %arg5[%add3A_445, %dma_start3A_451] : memref<128x26xi32, #tpu.memory_space<vmem>> -> memref<1x26xi32, #tpu.memory_space<vmem>>
      %dma_start3A_453 = tpu.memref_squeeze %dma_start3A_452 : memref<1x26xi32, #tpu.memory_space<vmem>> -> memref<26xi32, #tpu.memory_space<vmem>>
      %dma_start3A_454 = arith.constant 0 : i32
      %dma_start3A_455 = arith.constant 0 : i32
      %dma_start3A_456 = tpu.memref_slice %arg2[%dma_start3A_454, %dma_start3A_455] : memref<100000x64xf32, #tpu.memory_space<hbm>> -> memref<100000x64xf32, #tpu.memory_space<hbm>>
      tpu.enqueue_indirect_dma source(%dma_start3A_456 : memref<100000x64xf32, #tpu.memory_space<hbm>>) target(%dma_start3A_450 : memref<26x64xf32, #tpu.memory_space<vmem>>) offsets(%dma_start3A_453 : memref<26xi32, #tpu.memory_space<vmem>>) semaphore(%arg9 : memref<!tpu.dma_semaphore, #tpu.memory_space<semaphore_mem>>)
      %mul3A_457 = arith.constant 16 : i32
      %mul3A_458 = arith.muli %add3A_271, %mul3A_457 : i32
      %add3A_459 = arith.constant 12 : i32
      %add3A_460 = arith.addi %mul3A_458, %add3A_459 : i32
      %dma_start3A_461 = arith.constant 12 : i32
      %dma_start3A_462 = arith.constant 0 : i32
      %dma_start3A_463 = arith.constant 0 : i32
      %dma_start3A_464 = tpu.memref_slice %arg7[%dma_start3A_461, %dma_start3A_462, %dma_start3A_463] : memref<16x26x64xf32, #tpu.memory_space<vmem>> -> memref<1x26x64xf32, #tpu.memory_space<vmem>>
      %dma_start3A_465 = tpu.memref_squeeze %dma_start3A_464 : memref<1x26x64xf32, #tpu.memory_space<vmem>> -> memref<26x64xf32, #tpu.memory_space<vmem>>
      %dma_start3A_466 = arith.constant 0 : i32
      %dma_start3A_467 = tpu.memref_slice %arg5[%add3A_460, %dma_start3A_466] : memref<128x26xi32, #tpu.memory_space<vmem>> -> memref<1x26xi32, #tpu.memory_space<vmem>>
      %dma_start3A_468 = tpu.memref_squeeze %dma_start3A_467 : memref<1x26xi32, #tpu.memory_space<vmem>> -> memref<26xi32, #tpu.memory_space<vmem>>
      %dma_start3A_469 = arith.constant 0 : i32
      %dma_start3A_470 = arith.constant 0 : i32
      %dma_start3A_471 = tpu.memref_slice %arg2[%dma_start3A_469, %dma_start3A_470] : memref<100000x64xf32, #tpu.memory_space<hbm>> -> memref<100000x64xf32, #tpu.memory_space<hbm>>
      tpu.enqueue_indirect_dma source(%dma_start3A_471 : memref<100000x64xf32, #tpu.memory_space<hbm>>) target(%dma_start3A_465 : memref<26x64xf32, #tpu.memory_space<vmem>>) offsets(%dma_start3A_468 : memref<26xi32, #tpu.memory_space<vmem>>) semaphore(%arg9 : memref<!tpu.dma_semaphore, #tpu.memory_space<semaphore_mem>>)
      %mul3A_472 = arith.constant 16 : i32
      %mul3A_473 = arith.muli %add3A_271, %mul3A_472 : i32
      %add3A_474 = arith.constant 13 : i32
      %add3A_475 = arith.addi %mul3A_473, %add3A_474 : i32
      %dma_start3A_476 = arith.constant 13 : i32
      %dma_start3A_477 = arith.constant 0 : i32
      %dma_start3A_478 = arith.constant 0 : i32
      %dma_start3A_479 = tpu.memref_slice %arg7[%dma_start3A_476, %dma_start3A_477, %dma_start3A_478] : memref<16x26x64xf32, #tpu.memory_space<vmem>> -> memref<1x26x64xf32, #tpu.memory_space<vmem>>
      %dma_start3A_480 = tpu.memref_squeeze %dma_start3A_479 : memref<1x26x64xf32, #tpu.memory_space<vmem>> -> memref<26x64xf32, #tpu.memory_space<vmem>>
      %dma_start3A_481 = arith.constant 0 : i32
      %dma_start3A_482 = tpu.memref_slice %arg5[%add3A_475, %dma_start3A_481] : memref<128x26xi32, #tpu.memory_space<vmem>> -> memref<1x26xi32, #tpu.memory_space<vmem>>
      %dma_start3A_483 = tpu.memref_squeeze %dma_start3A_482 : memref<1x26xi32, #tpu.memory_space<vmem>> -> memref<26xi32, #tpu.memory_space<vmem>>
      %dma_start3A_484 = arith.constant 0 : i32
      %dma_start3A_485 = arith.constant 0 : i32
      %dma_start3A_486 = tpu.memref_slice %arg2[%dma_start3A_484, %dma_start3A_485] : memref<100000x64xf32, #tpu.memory_space<hbm>> -> memref<100000x64xf32, #tpu.memory_space<hbm>>
      tpu.enqueue_indirect_dma source(%dma_start3A_486 : memref<100000x64xf32, #tpu.memory_space<hbm>>) target(%dma_start3A_480 : memref<26x64xf32, #tpu.memory_space<vmem>>) offsets(%dma_start3A_483 : memref<26xi32, #tpu.memory_space<vmem>>) semaphore(%arg9 : memref<!tpu.dma_semaphore, #tpu.memory_space<semaphore_mem>>)
      %mul3A_487 = arith.constant 16 : i32
      %mul3A_488 = arith.muli %add3A_271, %mul3A_487 : i32
      %add3A_489 = arith.constant 14 : i32
      %add3A_490 = arith.addi %mul3A_488, %add3A_489 : i32
      %dma_start3A_491 = arith.constant 14 : i32
      %dma_start3A_492 = arith.constant 0 : i32
      %dma_start3A_493 = arith.constant 0 : i32
      %dma_start3A_494 = tpu.memref_slice %arg7[%dma_start3A_491, %dma_start3A_492, %dma_start3A_493] : memref<16x26x64xf32, #tpu.memory_space<vmem>> -> memref<1x26x64xf32, #tpu.memory_space<vmem>>
      %dma_start3A_495 = tpu.memref_squeeze %dma_start3A_494 : memref<1x26x64xf32, #tpu.memory_space<vmem>> -> memref<26x64xf32, #tpu.memory_space<vmem>>
      %dma_start3A_496 = arith.constant 0 : i32
      %dma_start3A_497 = tpu.memref_slice %arg5[%add3A_490, %dma_start3A_496] : memref<128x26xi32, #tpu.memory_space<vmem>> -> memref<1x26xi32, #tpu.memory_space<vmem>>
      %dma_start3A_498 = tpu.memref_squeeze %dma_start3A_497 : memref<1x26xi32, #tpu.memory_space<vmem>> -> memref<26xi32, #tpu.memory_space<vmem>>
      %dma_start3A_499 = arith.constant 0 : i32
      %dma_start3A_500 = arith.constant 0 : i32
      %dma_start3A_501 = tpu.memref_slice %arg2[%dma_start3A_499, %dma_start3A_500] : memref<100000x64xf32, #tpu.memory_space<hbm>> -> memref<100000x64xf32, #tpu.memory_space<hbm>>
      tpu.enqueue_indirect_dma source(%dma_start3A_501 : memref<100000x64xf32, #tpu.memory_space<hbm>>) target(%dma_start3A_495 : memref<26x64xf32, #tpu.memory_space<vmem>>) offsets(%dma_start3A_498 : memref<26xi32, #tpu.memory_space<vmem>>) semaphore(%arg9 : memref<!tpu.dma_semaphore, #tpu.memory_space<semaphore_mem>>)
      %mul3A_502 = arith.constant 16 : i32
      %mul3A_503 = arith.muli %add3A_271, %mul3A_502 : i32
      %add3A_504 = arith.constant 15 : i32
      %add3A_505 = arith.addi %mul3A_503, %add3A_504 : i32
      %dma_start3A_506 = arith.constant 15 : i32
      %dma_start3A_507 = arith.constant 0 : i32
      %dma_start3A_508 = arith.constant 0 : i32
      %dma_start3A_509 = tpu.memref_slice %arg7[%dma_start3A_506, %dma_start3A_507, %dma_start3A_508] : memref<16x26x64xf32, #tpu.memory_space<vmem>> -> memref<1x26x64xf32, #tpu.memory_space<vmem>>
      %dma_start3A_510 = tpu.memref_squeeze %dma_start3A_509 : memref<1x26x64xf32, #tpu.memory_space<vmem>> -> memref<26x64xf32, #tpu.memory_space<vmem>>
      %dma_start3A_511 = arith.constant 0 : i32
      %dma_start3A_512 = tpu.memref_slice %arg5[%add3A_505, %dma_start3A_511] : memref<128x26xi32, #tpu.memory_space<vmem>> -> memref<1x26xi32, #tpu.memory_space<vmem>>
      %dma_start3A_513 = tpu.memref_squeeze %dma_start3A_512 : memref<1x26xi32, #tpu.memory_space<vmem>> -> memref<26xi32, #tpu.memory_space<vmem>>
      %dma_start3A_514 = arith.constant 0 : i32
      %dma_start3A_515 = arith.constant 0 : i32
      %dma_start3A_516 = tpu.memref_slice %arg2[%dma_start3A_514, %dma_start3A_515] : memref<100000x64xf32, #tpu.memory_space<hbm>> -> memref<100000x64xf32, #tpu.memory_space<hbm>>
      tpu.enqueue_indirect_dma source(%dma_start3A_516 : memref<100000x64xf32, #tpu.memory_space<hbm>>) target(%dma_start3A_510 : memref<26x64xf32, #tpu.memory_space<vmem>>) offsets(%dma_start3A_513 : memref<26xi32, #tpu.memory_space<vmem>>) semaphore(%arg9 : memref<!tpu.dma_semaphore, #tpu.memory_space<semaphore_mem>>)
      %mul3A_517 = arith.constant 2 : i32
      %mul3A_518 = arith.muli %mul3A_517, %scan3A_22 : i32
      %add3A_519 = arith.constant 0 : i32
      %add3A_520 = arith.addi %mul3A_518, %add3A_519 : i32
      %dma_wait3A_521 = arith.constant 0 : i32
      %dma_wait3A_522 = arith.constant 0 : i32
      %dma_wait3A_523 = arith.constant 0 : i32
      %dma_wait3A_524 = tpu.memref_slice %arg6[%dma_wait3A_521, %dma_wait3A_522, %dma_wait3A_523] : memref<16x26x64xf32, #tpu.memory_space<vmem>> -> memref<1x26x64xf32, #tpu.memory_space<vmem>>
      %dma_wait3A_525 = tpu.memref_squeeze %dma_wait3A_524 : memref<1x26x64xf32, #tpu.memory_space<vmem>> -> memref<26x64xf32, #tpu.memory_space<vmem>>
      %dma_wait3A_526 = arith.constant 0 : i32
      %dma_wait3A_527 = tpu.memref_slice %arg5[%add3A_32, %dma_wait3A_526] : memref<128x26xi32, #tpu.memory_space<vmem>> -> memref<1x26xi32, #tpu.memory_space<vmem>>
      %dma_wait3A_528 = tpu.memref_squeeze %dma_wait3A_527 : memref<1x26xi32, #tpu.memory_space<vmem>> -> memref<26xi32, #tpu.memory_space<vmem>>
      %dma_wait3A_529 = arith.constant 0 : i32
      %dma_wait3A_530 = arith.constant 0 : i32
      %dma_wait3A_531 = tpu.memref_slice %arg2[%dma_wait3A_529, %dma_wait3A_530] : memref<100000x64xf32, #tpu.memory_space<hbm>> -> memref<100000x64xf32, #tpu.memory_space<hbm>>
      tpu.wait_indirect_dma semaphore(%arg8 : memref<!tpu.dma_semaphore, #tpu.memory_space<semaphore_mem>>) src(%dma_wait3A_531 : memref<100000x64xf32, #tpu.memory_space<hbm>>) dst(%dma_wait3A_525 : memref<26x64xf32, #tpu.memory_space<vmem>>)
      %dma_wait3A_532 = arith.constant 1 : i32
      %dma_wait3A_533 = arith.constant 0 : i32
      %dma_wait3A_534 = arith.constant 0 : i32
      %dma_wait3A_535 = tpu.memref_slice %arg6[%dma_wait3A_532, %dma_wait3A_533, %dma_wait3A_534] : memref<16x26x64xf32, #tpu.memory_space<vmem>> -> memref<1x26x64xf32, #tpu.memory_space<vmem>>
      %dma_wait3A_536 = tpu.memref_squeeze %dma_wait3A_535 : memref<1x26x64xf32, #tpu.memory_space<vmem>> -> memref<26x64xf32, #tpu.memory_space<vmem>>
      %dma_wait3A_537 = arith.constant 0 : i32
      %dma_wait3A_538 = tpu.memref_slice %arg5[%add3A_46, %dma_wait3A_537] : memref<128x26xi32, #tpu.memory_space<vmem>> -> memref<1x26xi32, #tpu.memory_space<vmem>>
      %dma_wait3A_539 = tpu.memref_squeeze %dma_wait3A_538 : memref<1x26xi32, #tpu.memory_space<vmem>> -> memref<26xi32, #tpu.memory_space<vmem>>
      %dma_wait3A_540 = arith.constant 0 : i32
      %dma_wait3A_541 = arith.constant 0 : i32
      %dma_wait3A_542 = tpu.memref_slice %arg2[%dma_wait3A_540, %dma_wait3A_541] : memref<100000x64xf32, #tpu.memory_space<hbm>> -> memref<100000x64xf32, #tpu.memory_space<hbm>>
      tpu.wait_indirect_dma semaphore(%arg8 : memref<!tpu.dma_semaphore, #tpu.memory_space<semaphore_mem>>) src(%dma_wait3A_542 : memref<100000x64xf32, #tpu.memory_space<hbm>>) dst(%dma_wait3A_536 : memref<26x64xf32, #tpu.memory_space<vmem>>)
      %dma_wait3A_543 = arith.constant 2 : i32
      %dma_wait3A_544 = arith.constant 0 : i32
      %dma_wait3A_545 = arith.constant 0 : i32
      %dma_wait3A_546 = tpu.memref_slice %arg6[%dma_wait3A_543, %dma_wait3A_544, %dma_wait3A_545] : memref<16x26x64xf32, #tpu.memory_space<vmem>> -> memref<1x26x64xf32, #tpu.memory_space<vmem>>
      %dma_wait3A_547 = tpu.memref_squeeze %dma_wait3A_546 : memref<1x26x64xf32, #tpu.memory_space<vmem>> -> memref<26x64xf32, #tpu.memory_space<vmem>>
      %dma_wait3A_548 = arith.constant 0 : i32
      %dma_wait3A_549 = tpu.memref_slice %arg5[%add3A_61, %dma_wait3A_548] : memref<128x26xi32, #tpu.memory_space<vmem>> -> memref<1x26xi32, #tpu.memory_space<vmem>>
      %dma_wait3A_550 = tpu.memref_squeeze %dma_wait3A_549 : memref<1x26xi32, #tpu.memory_space<vmem>> -> memref<26xi32, #tpu.memory_space<vmem>>
      %dma_wait3A_551 = arith.constant 0 : i32
      %dma_wait3A_552 = arith.constant 0 : i32
      %dma_wait3A_553 = tpu.memref_slice %arg2[%dma_wait3A_551, %dma_wait3A_552] : memref<100000x64xf32, #tpu.memory_space<hbm>> -> memref<100000x64xf32, #tpu.memory_space<hbm>>
      tpu.wait_indirect_dma semaphore(%arg8 : memref<!tpu.dma_semaphore, #tpu.memory_space<semaphore_mem>>) src(%dma_wait3A_553 : memref<100000x64xf32, #tpu.memory_space<hbm>>) dst(%dma_wait3A_547 : memref<26x64xf32, #tpu.memory_space<vmem>>)
      %dma_wait3A_554 = arith.constant 3 : i32
      %dma_wait3A_555 = arith.constant 0 : i32
      %dma_wait3A_556 = arith.constant 0 : i32
      %dma_wait3A_557 = tpu.memref_slice %arg6[%dma_wait3A_554, %dma_wait3A_555, %dma_wait3A_556] : memref<16x26x64xf32, #tpu.memory_space<vmem>> -> memref<1x26x64xf32, #tpu.memory_space<vmem>>
      %dma_wait3A_558 = tpu.memref_squeeze %dma_wait3A_557 : memref<1x26x64xf32, #tpu.memory_space<vmem>> -> memref<26x64xf32, #tpu.memory_space<vmem>>
      %dma_wait3A_559 = arith.constant 0 : i32
      %dma_wait3A_560 = tpu.memref_slice %arg5[%add3A_76, %dma_wait3A_559] : memref<128x26xi32, #tpu.memory_space<vmem>> -> memref<1x26xi32, #tpu.memory_space<vmem>>
      %dma_wait3A_561 = tpu.memref_squeeze %dma_wait3A_560 : memref<1x26xi32, #tpu.memory_space<vmem>> -> memref<26xi32, #tpu.memory_space<vmem>>
      %dma_wait3A_562 = arith.constant 0 : i32
      %dma_wait3A_563 = arith.constant 0 : i32
      %dma_wait3A_564 = tpu.memref_slice %arg2[%dma_wait3A_562, %dma_wait3A_563] : memref<100000x64xf32, #tpu.memory_space<hbm>> -> memref<100000x64xf32, #tpu.memory_space<hbm>>
      tpu.wait_indirect_dma semaphore(%arg8 : memref<!tpu.dma_semaphore, #tpu.memory_space<semaphore_mem>>) src(%dma_wait3A_564 : memref<100000x64xf32, #tpu.memory_space<hbm>>) dst(%dma_wait3A_558 : memref<26x64xf32, #tpu.memory_space<vmem>>)
      %dma_wait3A_565 = arith.constant 4 : i32
      %dma_wait3A_566 = arith.constant 0 : i32
      %dma_wait3A_567 = arith.constant 0 : i32
      %dma_wait3A_568 = tpu.memref_slice %arg6[%dma_wait3A_565, %dma_wait3A_566, %dma_wait3A_567] : memref<16x26x64xf32, #tpu.memory_space<vmem>> -> memref<1x26x64xf32, #tpu.memory_space<vmem>>
      %dma_wait3A_569 = tpu.memref_squeeze %dma_wait3A_568 : memref<1x26x64xf32, #tpu.memory_space<vmem>> -> memref<26x64xf32, #tpu.memory_space<vmem>>
      %dma_wait3A_570 = arith.constant 0 : i32
      %dma_wait3A_571 = tpu.memref_slice %arg5[%add3A_91, %dma_wait3A_570] : memref<128x26xi32, #tpu.memory_space<vmem>> -> memref<1x26xi32, #tpu.memory_space<vmem>>
      %dma_wait3A_572 = tpu.memref_squeeze %dma_wait3A_571 : memref<1x26xi32, #tpu.memory_space<vmem>> -> memref<26xi32, #tpu.memory_space<vmem>>
      %dma_wait3A_573 = arith.constant 0 : i32
      %dma_wait3A_574 = arith.constant 0 : i32
      %dma_wait3A_575 = tpu.memref_slice %arg2[%dma_wait3A_573, %dma_wait3A_574] : memref<100000x64xf32, #tpu.memory_space<hbm>> -> memref<100000x64xf32, #tpu.memory_space<hbm>>
      tpu.wait_indirect_dma semaphore(%arg8 : memref<!tpu.dma_semaphore, #tpu.memory_space<semaphore_mem>>) src(%dma_wait3A_575 : memref<100000x64xf32, #tpu.memory_space<hbm>>) dst(%dma_wait3A_569 : memref<26x64xf32, #tpu.memory_space<vmem>>)
      %dma_wait3A_576 = arith.constant 5 : i32
      %dma_wait3A_577 = arith.constant 0 : i32
      %dma_wait3A_578 = arith.constant 0 : i32
      %dma_wait3A_579 = tpu.memref_slice %arg6[%dma_wait3A_576, %dma_wait3A_577, %dma_wait3A_578] : memref<16x26x64xf32, #tpu.memory_space<vmem>> -> memref<1x26x64xf32, #tpu.memory_space<vmem>>
      %dma_wait3A_580 = tpu.memref_squeeze %dma_wait3A_579 : memref<1x26x64xf32, #tpu.memory_space<vmem>> -> memref<26x64xf32, #tpu.memory_space<vmem>>
      %dma_wait3A_581 = arith.constant 0 : i32
      %dma_wait3A_582 = tpu.memref_slice %arg5[%add3A_106, %dma_wait3A_581] : memref<128x26xi32, #tpu.memory_space<vmem>> -> memref<1x26xi32, #tpu.memory_space<vmem>>
      %dma_wait3A_583 = tpu.memref_squeeze %dma_wait3A_582 : memref<1x26xi32, #tpu.memory_space<vmem>> -> memref<26xi32, #tpu.memory_space<vmem>>
      %dma_wait3A_584 = arith.constant 0 : i32
      %dma_wait3A_585 = arith.constant 0 : i32
      %dma_wait3A_586 = tpu.memref_slice %arg2[%dma_wait3A_584, %dma_wait3A_585] : memref<100000x64xf32, #tpu.memory_space<hbm>> -> memref<100000x64xf32, #tpu.memory_space<hbm>>
      tpu.wait_indirect_dma semaphore(%arg8 : memref<!tpu.dma_semaphore, #tpu.memory_space<semaphore_mem>>) src(%dma_wait3A_586 : memref<100000x64xf32, #tpu.memory_space<hbm>>) dst(%dma_wait3A_580 : memref<26x64xf32, #tpu.memory_space<vmem>>)
      %dma_wait3A_587 = arith.constant 6 : i32
      %dma_wait3A_588 = arith.constant 0 : i32
      %dma_wait3A_589 = arith.constant 0 : i32
      %dma_wait3A_590 = tpu.memref_slice %arg6[%dma_wait3A_587, %dma_wait3A_588, %dma_wait3A_589] : memref<16x26x64xf32, #tpu.memory_space<vmem>> -> memref<1x26x64xf32, #tpu.memory_space<vmem>>
      %dma_wait3A_591 = tpu.memref_squeeze %dma_wait3A_590 : memref<1x26x64xf32, #tpu.memory_space<vmem>> -> memref<26x64xf32, #tpu.memory_space<vmem>>
      %dma_wait3A_592 = arith.constant 0 : i32
      %dma_wait3A_593 = tpu.memref_slice %arg5[%add3A_121, %dma_wait3A_592] : memref<128x26xi32, #tpu.memory_space<vmem>> -> memref<1x26xi32, #tpu.memory_space<vmem>>
      %dma_wait3A_594 = tpu.memref_squeeze %dma_wait3A_593 : memref<1x26xi32, #tpu.memory_space<vmem>> -> memref<26xi32, #tpu.memory_space<vmem>>
      %dma_wait3A_595 = arith.constant 0 : i32
      %dma_wait3A_596 = arith.constant 0 : i32
      %dma_wait3A_597 = tpu.memref_slice %arg2[%dma_wait3A_595, %dma_wait3A_596] : memref<100000x64xf32, #tpu.memory_space<hbm>> -> memref<100000x64xf32, #tpu.memory_space<hbm>>
      tpu.wait_indirect_dma semaphore(%arg8 : memref<!tpu.dma_semaphore, #tpu.memory_space<semaphore_mem>>) src(%dma_wait3A_597 : memref<100000x64xf32, #tpu.memory_space<hbm>>) dst(%dma_wait3A_591 : memref<26x64xf32, #tpu.memory_space<vmem>>)
      %dma_wait3A_598 = arith.constant 7 : i32
      %dma_wait3A_599 = arith.constant 0 : i32
      %dma_wait3A_600 = arith.constant 0 : i32
      %dma_wait3A_601 = tpu.memref_slice %arg6[%dma_wait3A_598, %dma_wait3A_599, %dma_wait3A_600] : memref<16x26x64xf32, #tpu.memory_space<vmem>> -> memref<1x26x64xf32, #tpu.memory_space<vmem>>
      %dma_wait3A_602 = tpu.memref_squeeze %dma_wait3A_601 : memref<1x26x64xf32, #tpu.memory_space<vmem>> -> memref<26x64xf32, #tpu.memory_space<vmem>>
      %dma_wait3A_603 = arith.constant 0 : i32
      %dma_wait3A_604 = tpu.memref_slice %arg5[%add3A_136, %dma_wait3A_603] : memref<128x26xi32, #tpu.memory_space<vmem>> -> memref<1x26xi32, #tpu.memory_space<vmem>>
      %dma_wait3A_605 = tpu.memref_squeeze %dma_wait3A_604 : memref<1x26xi32, #tpu.memory_space<vmem>> -> memref<26xi32, #tpu.memory_space<vmem>>
      %dma_wait3A_606 = arith.constant 0 : i32
      %dma_wait3A_607 = arith.constant 0 : i32
      %dma_wait3A_608 = tpu.memref_slice %arg2[%dma_wait3A_606, %dma_wait3A_607] : memref<100000x64xf32, #tpu.memory_space<hbm>> -> memref<100000x64xf32, #tpu.memory_space<hbm>>
      tpu.wait_indirect_dma semaphore(%arg8 : memref<!tpu.dma_semaphore, #tpu.memory_space<semaphore_mem>>) src(%dma_wait3A_608 : memref<100000x64xf32, #tpu.memory_space<hbm>>) dst(%dma_wait3A_602 : memref<26x64xf32, #tpu.memory_space<vmem>>)
      %dma_wait3A_609 = arith.constant 8 : i32
      %dma_wait3A_610 = arith.constant 0 : i32
      %dma_wait3A_611 = arith.constant 0 : i32
      %dma_wait3A_612 = tpu.memref_slice %arg6[%dma_wait3A_609, %dma_wait3A_610, %dma_wait3A_611] : memref<16x26x64xf32, #tpu.memory_space<vmem>> -> memref<1x26x64xf32, #tpu.memory_space<vmem>>
      %dma_wait3A_613 = tpu.memref_squeeze %dma_wait3A_612 : memref<1x26x64xf32, #tpu.memory_space<vmem>> -> memref<26x64xf32, #tpu.memory_space<vmem>>
      %dma_wait3A_614 = arith.constant 0 : i32
      %dma_wait3A_615 = tpu.memref_slice %arg5[%add3A_151, %dma_wait3A_614] : memref<128x26xi32, #tpu.memory_space<vmem>> -> memref<1x26xi32, #tpu.memory_space<vmem>>
      %dma_wait3A_616 = tpu.memref_squeeze %dma_wait3A_615 : memref<1x26xi32, #tpu.memory_space<vmem>> -> memref<26xi32, #tpu.memory_space<vmem>>
      %dma_wait3A_617 = arith.constant 0 : i32
      %dma_wait3A_618 = arith.constant 0 : i32
      %dma_wait3A_619 = tpu.memref_slice %arg2[%dma_wait3A_617, %dma_wait3A_618] : memref<100000x64xf32, #tpu.memory_space<hbm>> -> memref<100000x64xf32, #tpu.memory_space<hbm>>
      tpu.wait_indirect_dma semaphore(%arg8 : memref<!tpu.dma_semaphore, #tpu.memory_space<semaphore_mem>>) src(%dma_wait3A_619 : memref<100000x64xf32, #tpu.memory_space<hbm>>) dst(%dma_wait3A_613 : memref<26x64xf32, #tpu.memory_space<vmem>>)
      %dma_wait3A_620 = arith.constant 9 : i32
      %dma_wait3A_621 = arith.constant 0 : i32
      %dma_wait3A_622 = arith.constant 0 : i32
      %dma_wait3A_623 = tpu.memref_slice %arg6[%dma_wait3A_620, %dma_wait3A_621, %dma_wait3A_622] : memref<16x26x64xf32, #tpu.memory_space<vmem>> -> memref<1x26x64xf32, #tpu.memory_space<vmem>>
      %dma_wait3A_624 = tpu.memref_squeeze %dma_wait3A_623 : memref<1x26x64xf32, #tpu.memory_space<vmem>> -> memref<26x64xf32, #tpu.memory_space<vmem>>
      %dma_wait3A_625 = arith.constant 0 : i32
      %dma_wait3A_626 = tpu.memref_slice %arg5[%add3A_166, %dma_wait3A_625] : memref<128x26xi32, #tpu.memory_space<vmem>> -> memref<1x26xi32, #tpu.memory_space<vmem>>
      %dma_wait3A_627 = tpu.memref_squeeze %dma_wait3A_626 : memref<1x26xi32, #tpu.memory_space<vmem>> -> memref<26xi32, #tpu.memory_space<vmem>>
      %dma_wait3A_628 = arith.constant 0 : i32
      %dma_wait3A_629 = arith.constant 0 : i32
      %dma_wait3A_630 = tpu.memref_slice %arg2[%dma_wait3A_628, %dma_wait3A_629] : memref<100000x64xf32, #tpu.memory_space<hbm>> -> memref<100000x64xf32, #tpu.memory_space<hbm>>
      tpu.wait_indirect_dma semaphore(%arg8 : memref<!tpu.dma_semaphore, #tpu.memory_space<semaphore_mem>>) src(%dma_wait3A_630 : memref<100000x64xf32, #tpu.memory_space<hbm>>) dst(%dma_wait3A_624 : memref<26x64xf32, #tpu.memory_space<vmem>>)
      %dma_wait3A_631 = arith.constant 10 : i32
      %dma_wait3A_632 = arith.constant 0 : i32
      %dma_wait3A_633 = arith.constant 0 : i32
      %dma_wait3A_634 = tpu.memref_slice %arg6[%dma_wait3A_631, %dma_wait3A_632, %dma_wait3A_633] : memref<16x26x64xf32, #tpu.memory_space<vmem>> -> memref<1x26x64xf32, #tpu.memory_space<vmem>>
      %dma_wait3A_635 = tpu.memref_squeeze %dma_wait3A_634 : memref<1x26x64xf32, #tpu.memory_space<vmem>> -> memref<26x64xf32, #tpu.memory_space<vmem>>
      %dma_wait3A_636 = arith.constant 0 : i32
      %dma_wait3A_637 = tpu.memref_slice %arg5[%add3A_181, %dma_wait3A_636] : memref<128x26xi32, #tpu.memory_space<vmem>> -> memref<1x26xi32, #tpu.memory_space<vmem>>
      %dma_wait3A_638 = tpu.memref_squeeze %dma_wait3A_637 : memref<1x26xi32, #tpu.memory_space<vmem>> -> memref<26xi32, #tpu.memory_space<vmem>>
      %dma_wait3A_639 = arith.constant 0 : i32
      %dma_wait3A_640 = arith.constant 0 : i32
      %dma_wait3A_641 = tpu.memref_slice %arg2[%dma_wait3A_639, %dma_wait3A_640] : memref<100000x64xf32, #tpu.memory_space<hbm>> -> memref<100000x64xf32, #tpu.memory_space<hbm>>
      tpu.wait_indirect_dma semaphore(%arg8 : memref<!tpu.dma_semaphore, #tpu.memory_space<semaphore_mem>>) src(%dma_wait3A_641 : memref<100000x64xf32, #tpu.memory_space<hbm>>) dst(%dma_wait3A_635 : memref<26x64xf32, #tpu.memory_space<vmem>>)
      %dma_wait3A_642 = arith.constant 11 : i32
      %dma_wait3A_643 = arith.constant 0 : i32
      %dma_wait3A_644 = arith.constant 0 : i32
      %dma_wait3A_645 = tpu.memref_slice %arg6[%dma_wait3A_642, %dma_wait3A_643, %dma_wait3A_644] : memref<16x26x64xf32, #tpu.memory_space<vmem>> -> memref<1x26x64xf32, #tpu.memory_space<vmem>>
      %dma_wait3A_646 = tpu.memref_squeeze %dma_wait3A_645 : memref<1x26x64xf32, #tpu.memory_space<vmem>> -> memref<26x64xf32, #tpu.memory_space<vmem>>
      %dma_wait3A_647 = arith.constant 0 : i32
      %dma_wait3A_648 = tpu.memref_slice %arg5[%add3A_196, %dma_wait3A_647] : memref<128x26xi32, #tpu.memory_space<vmem>> -> memref<1x26xi32, #tpu.memory_space<vmem>>
      %dma_wait3A_649 = tpu.memref_squeeze %dma_wait3A_648 : memref<1x26xi32, #tpu.memory_space<vmem>> -> memref<26xi32, #tpu.memory_space<vmem>>
      %dma_wait3A_650 = arith.constant 0 : i32
      %dma_wait3A_651 = arith.constant 0 : i32
      %dma_wait3A_652 = tpu.memref_slice %arg2[%dma_wait3A_650, %dma_wait3A_651] : memref<100000x64xf32, #tpu.memory_space<hbm>> -> memref<100000x64xf32, #tpu.memory_space<hbm>>
      tpu.wait_indirect_dma semaphore(%arg8 : memref<!tpu.dma_semaphore, #tpu.memory_space<semaphore_mem>>) src(%dma_wait3A_652 : memref<100000x64xf32, #tpu.memory_space<hbm>>) dst(%dma_wait3A_646 : memref<26x64xf32, #tpu.memory_space<vmem>>)
      %dma_wait3A_653 = arith.constant 12 : i32
      %dma_wait3A_654 = arith.constant 0 : i32
      %dma_wait3A_655 = arith.constant 0 : i32
      %dma_wait3A_656 = tpu.memref_slice %arg6[%dma_wait3A_653, %dma_wait3A_654, %dma_wait3A_655] : memref<16x26x64xf32, #tpu.memory_space<vmem>> -> memref<1x26x64xf32, #tpu.memory_space<vmem>>
      %dma_wait3A_657 = tpu.memref_squeeze %dma_wait3A_656 : memref<1x26x64xf32, #tpu.memory_space<vmem>> -> memref<26x64xf32, #tpu.memory_space<vmem>>
      %dma_wait3A_658 = arith.constant 0 : i32
      %dma_wait3A_659 = tpu.memref_slice %arg5[%add3A_211, %dma_wait3A_658] : memref<128x26xi32, #tpu.memory_space<vmem>> -> memref<1x26xi32, #tpu.memory_space<vmem>>
      %dma_wait3A_660 = tpu.memref_squeeze %dma_wait3A_659 : memref<1x26xi32, #tpu.memory_space<vmem>> -> memref<26xi32, #tpu.memory_space<vmem>>
      %dma_wait3A_661 = arith.constant 0 : i32
      %dma_wait3A_662 = arith.constant 0 : i32
      %dma_wait3A_663 = tpu.memref_slice %arg2[%dma_wait3A_661, %dma_wait3A_662] : memref<100000x64xf32, #tpu.memory_space<hbm>> -> memref<100000x64xf32, #tpu.memory_space<hbm>>
      tpu.wait_indirect_dma semaphore(%arg8 : memref<!tpu.dma_semaphore, #tpu.memory_space<semaphore_mem>>) src(%dma_wait3A_663 : memref<100000x64xf32, #tpu.memory_space<hbm>>) dst(%dma_wait3A_657 : memref<26x64xf32, #tpu.memory_space<vmem>>)
      %dma_wait3A_664 = arith.constant 13 : i32
      %dma_wait3A_665 = arith.constant 0 : i32
      %dma_wait3A_666 = arith.constant 0 : i32
      %dma_wait3A_667 = tpu.memref_slice %arg6[%dma_wait3A_664, %dma_wait3A_665, %dma_wait3A_666] : memref<16x26x64xf32, #tpu.memory_space<vmem>> -> memref<1x26x64xf32, #tpu.memory_space<vmem>>
      %dma_wait3A_668 = tpu.memref_squeeze %dma_wait3A_667 : memref<1x26x64xf32, #tpu.memory_space<vmem>> -> memref<26x64xf32, #tpu.memory_space<vmem>>
      %dma_wait3A_669 = arith.constant 0 : i32
      %dma_wait3A_670 = tpu.memref_slice %arg5[%add3A_226, %dma_wait3A_669] : memref<128x26xi32, #tpu.memory_space<vmem>> -> memref<1x26xi32, #tpu.memory_space<vmem>>
      %dma_wait3A_671 = tpu.memref_squeeze %dma_wait3A_670 : memref<1x26xi32, #tpu.memory_space<vmem>> -> memref<26xi32, #tpu.memory_space<vmem>>
      %dma_wait3A_672 = arith.constant 0 : i32
      %dma_wait3A_673 = arith.constant 0 : i32
      %dma_wait3A_674 = tpu.memref_slice %arg2[%dma_wait3A_672, %dma_wait3A_673] : memref<100000x64xf32, #tpu.memory_space<hbm>> -> memref<100000x64xf32, #tpu.memory_space<hbm>>
      tpu.wait_indirect_dma semaphore(%arg8 : memref<!tpu.dma_semaphore, #tpu.memory_space<semaphore_mem>>) src(%dma_wait3A_674 : memref<100000x64xf32, #tpu.memory_space<hbm>>) dst(%dma_wait3A_668 : memref<26x64xf32, #tpu.memory_space<vmem>>)
      %dma_wait3A_675 = arith.constant 14 : i32
      %dma_wait3A_676 = arith.constant 0 : i32
      %dma_wait3A_677 = arith.constant 0 : i32
      %dma_wait3A_678 = tpu.memref_slice %arg6[%dma_wait3A_675, %dma_wait3A_676, %dma_wait3A_677] : memref<16x26x64xf32, #tpu.memory_space<vmem>> -> memref<1x26x64xf32, #tpu.memory_space<vmem>>
      %dma_wait3A_679 = tpu.memref_squeeze %dma_wait3A_678 : memref<1x26x64xf32, #tpu.memory_space<vmem>> -> memref<26x64xf32, #tpu.memory_space<vmem>>
      %dma_wait3A_680 = arith.constant 0 : i32
      %dma_wait3A_681 = tpu.memref_slice %arg5[%add3A_241, %dma_wait3A_680] : memref<128x26xi32, #tpu.memory_space<vmem>> -> memref<1x26xi32, #tpu.memory_space<vmem>>
      %dma_wait3A_682 = tpu.memref_squeeze %dma_wait3A_681 : memref<1x26xi32, #tpu.memory_space<vmem>> -> memref<26xi32, #tpu.memory_space<vmem>>
      %dma_wait3A_683 = arith.constant 0 : i32
      %dma_wait3A_684 = arith.constant 0 : i32
      %dma_wait3A_685 = tpu.memref_slice %arg2[%dma_wait3A_683, %dma_wait3A_684] : memref<100000x64xf32, #tpu.memory_space<hbm>> -> memref<100000x64xf32, #tpu.memory_space<hbm>>
      tpu.wait_indirect_dma semaphore(%arg8 : memref<!tpu.dma_semaphore, #tpu.memory_space<semaphore_mem>>) src(%dma_wait3A_685 : memref<100000x64xf32, #tpu.memory_space<hbm>>) dst(%dma_wait3A_679 : memref<26x64xf32, #tpu.memory_space<vmem>>)
      %dma_wait3A_686 = arith.constant 15 : i32
      %dma_wait3A_687 = arith.constant 0 : i32
      %dma_wait3A_688 = arith.constant 0 : i32
      %dma_wait3A_689 = tpu.memref_slice %arg6[%dma_wait3A_686, %dma_wait3A_687, %dma_wait3A_688] : memref<16x26x64xf32, #tpu.memory_space<vmem>> -> memref<1x26x64xf32, #tpu.memory_space<vmem>>
      %dma_wait3A_690 = tpu.memref_squeeze %dma_wait3A_689 : memref<1x26x64xf32, #tpu.memory_space<vmem>> -> memref<26x64xf32, #tpu.memory_space<vmem>>
      %dma_wait3A_691 = arith.constant 0 : i32
      %dma_wait3A_692 = tpu.memref_slice %arg5[%add3A_256, %dma_wait3A_691] : memref<128x26xi32, #tpu.memory_space<vmem>> -> memref<1x26xi32, #tpu.memory_space<vmem>>
      %dma_wait3A_693 = tpu.memref_squeeze %dma_wait3A_692 : memref<1x26xi32, #tpu.memory_space<vmem>> -> memref<26xi32, #tpu.memory_space<vmem>>
      %dma_wait3A_694 = arith.constant 0 : i32
      %dma_wait3A_695 = arith.constant 0 : i32
      %dma_wait3A_696 = tpu.memref_slice %arg2[%dma_wait3A_694, %dma_wait3A_695] : memref<100000x64xf32, #tpu.memory_space<hbm>> -> memref<100000x64xf32, #tpu.memory_space<hbm>>
      tpu.wait_indirect_dma semaphore(%arg8 : memref<!tpu.dma_semaphore, #tpu.memory_space<semaphore_mem>>) src(%dma_wait3A_696 : memref<100000x64xf32, #tpu.memory_space<hbm>>) dst(%dma_wait3A_690 : memref<26x64xf32, #tpu.memory_space<vmem>>)
      %mul3A_697 = arith.constant 16 : i32
      %mul3A_698 = arith.muli %add3A_520, %mul3A_697 : i32
      %add3A_699 = arith.addi %mul3A_2, %mul3A_698 : i32
      %dma_start3A_700 = arith.constant 0 : i32
      %dma_start3A_701 = arith.constant 0 : i32
      %dma_start3A_702 = tpu.memref_slice %arg4[%add3A_699, %dma_start3A_700, %dma_start3A_701] : memref<4096x26x64xf32, #tpu.memory_space<hbm>> -> memref<16x26x64xf32, #tpu.memory_space<hbm>>
      %dma_start3A_703 = arith.constant 0 : i32
      %dma_start3A_704 = arith.constant 0 : i32
      %dma_start3A_705 = tpu.memref_slice %arg4[%add3A_699, %dma_start3A_703, %dma_start3A_704] : memref<4096x26x64xf32, #tpu.memory_space<hbm>> -> memref<16x26x64xf32, #tpu.memory_space<hbm>>
      tpu.enqueue_dma source(%arg6 : memref<16x26x64xf32, #tpu.memory_space<vmem>>) target(%dma_start3A_705 : memref<16x26x64xf32, #tpu.memory_space<hbm>>) target_semaphore(%arg10 : memref<!tpu.dma_semaphore, #tpu.memory_space<semaphore_mem>>)
      %mul3A_706 = arith.constant 2 : i32
      %mul3A_707 = arith.muli %mul3A_706, %scan3A_22 : i32
      %add3A_708 = arith.constant 1 : i32
      %add3A_709 = arith.addi %mul3A_707, %add3A_708 : i32
      %dma_wait3A_710 = arith.constant 0 : i32
      %dma_wait3A_711 = arith.constant 0 : i32
      %dma_wait3A_712 = arith.constant 0 : i32
      %dma_wait3A_713 = tpu.memref_slice %arg7[%dma_wait3A_710, %dma_wait3A_711, %dma_wait3A_712] : memref<16x26x64xf32, #tpu.memory_space<vmem>> -> memref<1x26x64xf32, #tpu.memory_space<vmem>>
      %dma_wait3A_714 = tpu.memref_squeeze %dma_wait3A_713 : memref<1x26x64xf32, #tpu.memory_space<vmem>> -> memref<26x64xf32, #tpu.memory_space<vmem>>
      %dma_wait3A_715 = arith.constant 0 : i32
      %dma_wait3A_716 = tpu.memref_slice %arg5[%add3A_280, %dma_wait3A_715] : memref<128x26xi32, #tpu.memory_space<vmem>> -> memref<1x26xi32, #tpu.memory_space<vmem>>
      %dma_wait3A_717 = tpu.memref_squeeze %dma_wait3A_716 : memref<1x26xi32, #tpu.memory_space<vmem>> -> memref<26xi32, #tpu.memory_space<vmem>>
      %dma_wait3A_718 = arith.constant 0 : i32
      %dma_wait3A_719 = arith.constant 0 : i32
      %dma_wait3A_720 = tpu.memref_slice %arg2[%dma_wait3A_718, %dma_wait3A_719] : memref<100000x64xf32, #tpu.memory_space<hbm>> -> memref<100000x64xf32, #tpu.memory_space<hbm>>
      tpu.wait_indirect_dma semaphore(%arg9 : memref<!tpu.dma_semaphore, #tpu.memory_space<semaphore_mem>>) src(%dma_wait3A_720 : memref<100000x64xf32, #tpu.memory_space<hbm>>) dst(%dma_wait3A_714 : memref<26x64xf32, #tpu.memory_space<vmem>>)
      %dma_wait3A_721 = arith.constant 1 : i32
      %dma_wait3A_722 = arith.constant 0 : i32
      %dma_wait3A_723 = arith.constant 0 : i32
      %dma_wait3A_724 = tpu.memref_slice %arg7[%dma_wait3A_721, %dma_wait3A_722, %dma_wait3A_723] : memref<16x26x64xf32, #tpu.memory_space<vmem>> -> memref<1x26x64xf32, #tpu.memory_space<vmem>>
      %dma_wait3A_725 = tpu.memref_squeeze %dma_wait3A_724 : memref<1x26x64xf32, #tpu.memory_space<vmem>> -> memref<26x64xf32, #tpu.memory_space<vmem>>
      %dma_wait3A_726 = arith.constant 0 : i32
      %dma_wait3A_727 = tpu.memref_slice %arg5[%add3A_295, %dma_wait3A_726] : memref<128x26xi32, #tpu.memory_space<vmem>> -> memref<1x26xi32, #tpu.memory_space<vmem>>
      %dma_wait3A_728 = tpu.memref_squeeze %dma_wait3A_727 : memref<1x26xi32, #tpu.memory_space<vmem>> -> memref<26xi32, #tpu.memory_space<vmem>>
      %dma_wait3A_729 = arith.constant 0 : i32
      %dma_wait3A_730 = arith.constant 0 : i32
      %dma_wait3A_731 = tpu.memref_slice %arg2[%dma_wait3A_729, %dma_wait3A_730] : memref<100000x64xf32, #tpu.memory_space<hbm>> -> memref<100000x64xf32, #tpu.memory_space<hbm>>
      tpu.wait_indirect_dma semaphore(%arg9 : memref<!tpu.dma_semaphore, #tpu.memory_space<semaphore_mem>>) src(%dma_wait3A_731 : memref<100000x64xf32, #tpu.memory_space<hbm>>) dst(%dma_wait3A_725 : memref<26x64xf32, #tpu.memory_space<vmem>>)
      %dma_wait3A_732 = arith.constant 2 : i32
      %dma_wait3A_733 = arith.constant 0 : i32
      %dma_wait3A_734 = arith.constant 0 : i32
      %dma_wait3A_735 = tpu.memref_slice %arg7[%dma_wait3A_732, %dma_wait3A_733, %dma_wait3A_734] : memref<16x26x64xf32, #tpu.memory_space<vmem>> -> memref<1x26x64xf32, #tpu.memory_space<vmem>>
      %dma_wait3A_736 = tpu.memref_squeeze %dma_wait3A_735 : memref<1x26x64xf32, #tpu.memory_space<vmem>> -> memref<26x64xf32, #tpu.memory_space<vmem>>
      %dma_wait3A_737 = arith.constant 0 : i32
      %dma_wait3A_738 = tpu.memref_slice %arg5[%add3A_310, %dma_wait3A_737] : memref<128x26xi32, #tpu.memory_space<vmem>> -> memref<1x26xi32, #tpu.memory_space<vmem>>
      %dma_wait3A_739 = tpu.memref_squeeze %dma_wait3A_738 : memref<1x26xi32, #tpu.memory_space<vmem>> -> memref<26xi32, #tpu.memory_space<vmem>>
      %dma_wait3A_740 = arith.constant 0 : i32
      %dma_wait3A_741 = arith.constant 0 : i32
      %dma_wait3A_742 = tpu.memref_slice %arg2[%dma_wait3A_740, %dma_wait3A_741] : memref<100000x64xf32, #tpu.memory_space<hbm>> -> memref<100000x64xf32, #tpu.memory_space<hbm>>
      tpu.wait_indirect_dma semaphore(%arg9 : memref<!tpu.dma_semaphore, #tpu.memory_space<semaphore_mem>>) src(%dma_wait3A_742 : memref<100000x64xf32, #tpu.memory_space<hbm>>) dst(%dma_wait3A_736 : memref<26x64xf32, #tpu.memory_space<vmem>>)
      %dma_wait3A_743 = arith.constant 3 : i32
      %dma_wait3A_744 = arith.constant 0 : i32
      %dma_wait3A_745 = arith.constant 0 : i32
      %dma_wait3A_746 = tpu.memref_slice %arg7[%dma_wait3A_743, %dma_wait3A_744, %dma_wait3A_745] : memref<16x26x64xf32, #tpu.memory_space<vmem>> -> memref<1x26x64xf32, #tpu.memory_space<vmem>>
      %dma_wait3A_747 = tpu.memref_squeeze %dma_wait3A_746 : memref<1x26x64xf32, #tpu.memory_space<vmem>> -> memref<26x64xf32, #tpu.memory_space<vmem>>
      %dma_wait3A_748 = arith.constant 0 : i32
      %dma_wait3A_749 = tpu.memref_slice %arg5[%add3A_325, %dma_wait3A_748] : memref<128x26xi32, #tpu.memory_space<vmem>> -> memref<1x26xi32, #tpu.memory_space<vmem>>
      %dma_wait3A_750 = tpu.memref_squeeze %dma_wait3A_749 : memref<1x26xi32, #tpu.memory_space<vmem>> -> memref<26xi32, #tpu.memory_space<vmem>>
      %dma_wait3A_751 = arith.constant 0 : i32
      %dma_wait3A_752 = arith.constant 0 : i32
      %dma_wait3A_753 = tpu.memref_slice %arg2[%dma_wait3A_751, %dma_wait3A_752] : memref<100000x64xf32, #tpu.memory_space<hbm>> -> memref<100000x64xf32, #tpu.memory_space<hbm>>
      tpu.wait_indirect_dma semaphore(%arg9 : memref<!tpu.dma_semaphore, #tpu.memory_space<semaphore_mem>>) src(%dma_wait3A_753 : memref<100000x64xf32, #tpu.memory_space<hbm>>) dst(%dma_wait3A_747 : memref<26x64xf32, #tpu.memory_space<vmem>>)
      %dma_wait3A_754 = arith.constant 4 : i32
      %dma_wait3A_755 = arith.constant 0 : i32
      %dma_wait3A_756 = arith.constant 0 : i32
      %dma_wait3A_757 = tpu.memref_slice %arg7[%dma_wait3A_754, %dma_wait3A_755, %dma_wait3A_756] : memref<16x26x64xf32, #tpu.memory_space<vmem>> -> memref<1x26x64xf32, #tpu.memory_space<vmem>>
      %dma_wait3A_758 = tpu.memref_squeeze %dma_wait3A_757 : memref<1x26x64xf32, #tpu.memory_space<vmem>> -> memref<26x64xf32, #tpu.memory_space<vmem>>
      %dma_wait3A_759 = arith.constant 0 : i32
      %dma_wait3A_760 = tpu.memref_slice %arg5[%add3A_340, %dma_wait3A_759] : memref<128x26xi32, #tpu.memory_space<vmem>> -> memref<1x26xi32, #tpu.memory_space<vmem>>
      %dma_wait3A_761 = tpu.memref_squeeze %dma_wait3A_760 : memref<1x26xi32, #tpu.memory_space<vmem>> -> memref<26xi32, #tpu.memory_space<vmem>>
      %dma_wait3A_762 = arith.constant 0 : i32
      %dma_wait3A_763 = arith.constant 0 : i32
      %dma_wait3A_764 = tpu.memref_slice %arg2[%dma_wait3A_762, %dma_wait3A_763] : memref<100000x64xf32, #tpu.memory_space<hbm>> -> memref<100000x64xf32, #tpu.memory_space<hbm>>
      tpu.wait_indirect_dma semaphore(%arg9 : memref<!tpu.dma_semaphore, #tpu.memory_space<semaphore_mem>>) src(%dma_wait3A_764 : memref<100000x64xf32, #tpu.memory_space<hbm>>) dst(%dma_wait3A_758 : memref<26x64xf32, #tpu.memory_space<vmem>>)
      %dma_wait3A_765 = arith.constant 5 : i32
      %dma_wait3A_766 = arith.constant 0 : i32
      %dma_wait3A_767 = arith.constant 0 : i32
      %dma_wait3A_768 = tpu.memref_slice %arg7[%dma_wait3A_765, %dma_wait3A_766, %dma_wait3A_767] : memref<16x26x64xf32, #tpu.memory_space<vmem>> -> memref<1x26x64xf32, #tpu.memory_space<vmem>>
      %dma_wait3A_769 = tpu.memref_squeeze %dma_wait3A_768 : memref<1x26x64xf32, #tpu.memory_space<vmem>> -> memref<26x64xf32, #tpu.memory_space<vmem>>
      %dma_wait3A_770 = arith.constant 0 : i32
      %dma_wait3A_771 = tpu.memref_slice %arg5[%add3A_355, %dma_wait3A_770] : memref<128x26xi32, #tpu.memory_space<vmem>> -> memref<1x26xi32, #tpu.memory_space<vmem>>
      %dma_wait3A_772 = tpu.memref_squeeze %dma_wait3A_771 : memref<1x26xi32, #tpu.memory_space<vmem>> -> memref<26xi32, #tpu.memory_space<vmem>>
      %dma_wait3A_773 = arith.constant 0 : i32
      %dma_wait3A_774 = arith.constant 0 : i32
      %dma_wait3A_775 = tpu.memref_slice %arg2[%dma_wait3A_773, %dma_wait3A_774] : memref<100000x64xf32, #tpu.memory_space<hbm>> -> memref<100000x64xf32, #tpu.memory_space<hbm>>
      tpu.wait_indirect_dma semaphore(%arg9 : memref<!tpu.dma_semaphore, #tpu.memory_space<semaphore_mem>>) src(%dma_wait3A_775 : memref<100000x64xf32, #tpu.memory_space<hbm>>) dst(%dma_wait3A_769 : memref<26x64xf32, #tpu.memory_space<vmem>>)
      %dma_wait3A_776 = arith.constant 6 : i32
      %dma_wait3A_777 = arith.constant 0 : i32
      %dma_wait3A_778 = arith.constant 0 : i32
      %dma_wait3A_779 = tpu.memref_slice %arg7[%dma_wait3A_776, %dma_wait3A_777, %dma_wait3A_778] : memref<16x26x64xf32, #tpu.memory_space<vmem>> -> memref<1x26x64xf32, #tpu.memory_space<vmem>>
      %dma_wait3A_780 = tpu.memref_squeeze %dma_wait3A_779 : memref<1x26x64xf32, #tpu.memory_space<vmem>> -> memref<26x64xf32, #tpu.memory_space<vmem>>
      %dma_wait3A_781 = arith.constant 0 : i32
      %dma_wait3A_782 = tpu.memref_slice %arg5[%add3A_370, %dma_wait3A_781] : memref<128x26xi32, #tpu.memory_space<vmem>> -> memref<1x26xi32, #tpu.memory_space<vmem>>
      %dma_wait3A_783 = tpu.memref_squeeze %dma_wait3A_782 : memref<1x26xi32, #tpu.memory_space<vmem>> -> memref<26xi32, #tpu.memory_space<vmem>>
      %dma_wait3A_784 = arith.constant 0 : i32
      %dma_wait3A_785 = arith.constant 0 : i32
      %dma_wait3A_786 = tpu.memref_slice %arg2[%dma_wait3A_784, %dma_wait3A_785] : memref<100000x64xf32, #tpu.memory_space<hbm>> -> memref<100000x64xf32, #tpu.memory_space<hbm>>
      tpu.wait_indirect_dma semaphore(%arg9 : memref<!tpu.dma_semaphore, #tpu.memory_space<semaphore_mem>>) src(%dma_wait3A_786 : memref<100000x64xf32, #tpu.memory_space<hbm>>) dst(%dma_wait3A_780 : memref<26x64xf32, #tpu.memory_space<vmem>>)
      %dma_wait3A_787 = arith.constant 7 : i32
      %dma_wait3A_788 = arith.constant 0 : i32
      %dma_wait3A_789 = arith.constant 0 : i32
      %dma_wait3A_790 = tpu.memref_slice %arg7[%dma_wait3A_787, %dma_wait3A_788, %dma_wait3A_789] : memref<16x26x64xf32, #tpu.memory_space<vmem>> -> memref<1x26x64xf32, #tpu.memory_space<vmem>>
      %dma_wait3A_791 = tpu.memref_squeeze %dma_wait3A_790 : memref<1x26x64xf32, #tpu.memory_space<vmem>> -> memref<26x64xf32, #tpu.memory_space<vmem>>
      %dma_wait3A_792 = arith.constant 0 : i32
      %dma_wait3A_793 = tpu.memref_slice %arg5[%add3A_385, %dma_wait3A_792] : memref<128x26xi32, #tpu.memory_space<vmem>> -> memref<1x26xi32, #tpu.memory_space<vmem>>
      %dma_wait3A_794 = tpu.memref_squeeze %dma_wait3A_793 : memref<1x26xi32, #tpu.memory_space<vmem>> -> memref<26xi32, #tpu.memory_space<vmem>>
      %dma_wait3A_795 = arith.constant 0 : i32
      %dma_wait3A_796 = arith.constant 0 : i32
      %dma_wait3A_797 = tpu.memref_slice %arg2[%dma_wait3A_795, %dma_wait3A_796] : memref<100000x64xf32, #tpu.memory_space<hbm>> -> memref<100000x64xf32, #tpu.memory_space<hbm>>
      tpu.wait_indirect_dma semaphore(%arg9 : memref<!tpu.dma_semaphore, #tpu.memory_space<semaphore_mem>>) src(%dma_wait3A_797 : memref<100000x64xf32, #tpu.memory_space<hbm>>) dst(%dma_wait3A_791 : memref<26x64xf32, #tpu.memory_space<vmem>>)
      %dma_wait3A_798 = arith.constant 8 : i32
      %dma_wait3A_799 = arith.constant 0 : i32
      %dma_wait3A_800 = arith.constant 0 : i32
      %dma_wait3A_801 = tpu.memref_slice %arg7[%dma_wait3A_798, %dma_wait3A_799, %dma_wait3A_800] : memref<16x26x64xf32, #tpu.memory_space<vmem>> -> memref<1x26x64xf32, #tpu.memory_space<vmem>>
      %dma_wait3A_802 = tpu.memref_squeeze %dma_wait3A_801 : memref<1x26x64xf32, #tpu.memory_space<vmem>> -> memref<26x64xf32, #tpu.memory_space<vmem>>
      %dma_wait3A_803 = arith.constant 0 : i32
      %dma_wait3A_804 = tpu.memref_slice %arg5[%add3A_400, %dma_wait3A_803] : memref<128x26xi32, #tpu.memory_space<vmem>> -> memref<1x26xi32, #tpu.memory_space<vmem>>
      %dma_wait3A_805 = tpu.memref_squeeze %dma_wait3A_804 : memref<1x26xi32, #tpu.memory_space<vmem>> -> memref<26xi32, #tpu.memory_space<vmem>>
      %dma_wait3A_806 = arith.constant 0 : i32
      %dma_wait3A_807 = arith.constant 0 : i32
      %dma_wait3A_808 = tpu.memref_slice %arg2[%dma_wait3A_806, %dma_wait3A_807] : memref<100000x64xf32, #tpu.memory_space<hbm>> -> memref<100000x64xf32, #tpu.memory_space<hbm>>
      tpu.wait_indirect_dma semaphore(%arg9 : memref<!tpu.dma_semaphore, #tpu.memory_space<semaphore_mem>>) src(%dma_wait3A_808 : memref<100000x64xf32, #tpu.memory_space<hbm>>) dst(%dma_wait3A_802 : memref<26x64xf32, #tpu.memory_space<vmem>>)
      %dma_wait3A_809 = arith.constant 9 : i32
      %dma_wait3A_810 = arith.constant 0 : i32
      %dma_wait3A_811 = arith.constant 0 : i32
      %dma_wait3A_812 = tpu.memref_slice %arg7[%dma_wait3A_809, %dma_wait3A_810, %dma_wait3A_811] : memref<16x26x64xf32, #tpu.memory_space<vmem>> -> memref<1x26x64xf32, #tpu.memory_space<vmem>>
      %dma_wait3A_813 = tpu.memref_squeeze %dma_wait3A_812 : memref<1x26x64xf32, #tpu.memory_space<vmem>> -> memref<26x64xf32, #tpu.memory_space<vmem>>
      %dma_wait3A_814 = arith.constant 0 : i32
      %dma_wait3A_815 = tpu.memref_slice %arg5[%add3A_415, %dma_wait3A_814] : memref<128x26xi32, #tpu.memory_space<vmem>> -> memref<1x26xi32, #tpu.memory_space<vmem>>
      %dma_wait3A_816 = tpu.memref_squeeze %dma_wait3A_815 : memref<1x26xi32, #tpu.memory_space<vmem>> -> memref<26xi32, #tpu.memory_space<vmem>>
      %dma_wait3A_817 = arith.constant 0 : i32
      %dma_wait3A_818 = arith.constant 0 : i32
      %dma_wait3A_819 = tpu.memref_slice %arg2[%dma_wait3A_817, %dma_wait3A_818] : memref<100000x64xf32, #tpu.memory_space<hbm>> -> memref<100000x64xf32, #tpu.memory_space<hbm>>
      tpu.wait_indirect_dma semaphore(%arg9 : memref<!tpu.dma_semaphore, #tpu.memory_space<semaphore_mem>>) src(%dma_wait3A_819 : memref<100000x64xf32, #tpu.memory_space<hbm>>) dst(%dma_wait3A_813 : memref<26x64xf32, #tpu.memory_space<vmem>>)
      %dma_wait3A_820 = arith.constant 10 : i32
      %dma_wait3A_821 = arith.constant 0 : i32
      %dma_wait3A_822 = arith.constant 0 : i32
      %dma_wait3A_823 = tpu.memref_slice %arg7[%dma_wait3A_820, %dma_wait3A_821, %dma_wait3A_822] : memref<16x26x64xf32, #tpu.memory_space<vmem>> -> memref<1x26x64xf32, #tpu.memory_space<vmem>>
      %dma_wait3A_824 = tpu.memref_squeeze %dma_wait3A_823 : memref<1x26x64xf32, #tpu.memory_space<vmem>> -> memref<26x64xf32, #tpu.memory_space<vmem>>
      %dma_wait3A_825 = arith.constant 0 : i32
      %dma_wait3A_826 = tpu.memref_slice %arg5[%add3A_430, %dma_wait3A_825] : memref<128x26xi32, #tpu.memory_space<vmem>> -> memref<1x26xi32, #tpu.memory_space<vmem>>
      %dma_wait3A_827 = tpu.memref_squeeze %dma_wait3A_826 : memref<1x26xi32, #tpu.memory_space<vmem>> -> memref<26xi32, #tpu.memory_space<vmem>>
      %dma_wait3A_828 = arith.constant 0 : i32
      %dma_wait3A_829 = arith.constant 0 : i32
      %dma_wait3A_830 = tpu.memref_slice %arg2[%dma_wait3A_828, %dma_wait3A_829] : memref<100000x64xf32, #tpu.memory_space<hbm>> -> memref<100000x64xf32, #tpu.memory_space<hbm>>
      tpu.wait_indirect_dma semaphore(%arg9 : memref<!tpu.dma_semaphore, #tpu.memory_space<semaphore_mem>>) src(%dma_wait3A_830 : memref<100000x64xf32, #tpu.memory_space<hbm>>) dst(%dma_wait3A_824 : memref<26x64xf32, #tpu.memory_space<vmem>>)
      %dma_wait3A_831 = arith.constant 11 : i32
      %dma_wait3A_832 = arith.constant 0 : i32
      %dma_wait3A_833 = arith.constant 0 : i32
      %dma_wait3A_834 = tpu.memref_slice %arg7[%dma_wait3A_831, %dma_wait3A_832, %dma_wait3A_833] : memref<16x26x64xf32, #tpu.memory_space<vmem>> -> memref<1x26x64xf32, #tpu.memory_space<vmem>>
      %dma_wait3A_835 = tpu.memref_squeeze %dma_wait3A_834 : memref<1x26x64xf32, #tpu.memory_space<vmem>> -> memref<26x64xf32, #tpu.memory_space<vmem>>
      %dma_wait3A_836 = arith.constant 0 : i32
      %dma_wait3A_837 = tpu.memref_slice %arg5[%add3A_445, %dma_wait3A_836] : memref<128x26xi32, #tpu.memory_space<vmem>> -> memref<1x26xi32, #tpu.memory_space<vmem>>
      %dma_wait3A_838 = tpu.memref_squeeze %dma_wait3A_837 : memref<1x26xi32, #tpu.memory_space<vmem>> -> memref<26xi32, #tpu.memory_space<vmem>>
      %dma_wait3A_839 = arith.constant 0 : i32
      %dma_wait3A_840 = arith.constant 0 : i32
      %dma_wait3A_841 = tpu.memref_slice %arg2[%dma_wait3A_839, %dma_wait3A_840] : memref<100000x64xf32, #tpu.memory_space<hbm>> -> memref<100000x64xf32, #tpu.memory_space<hbm>>
      tpu.wait_indirect_dma semaphore(%arg9 : memref<!tpu.dma_semaphore, #tpu.memory_space<semaphore_mem>>) src(%dma_wait3A_841 : memref<100000x64xf32, #tpu.memory_space<hbm>>) dst(%dma_wait3A_835 : memref<26x64xf32, #tpu.memory_space<vmem>>)
      %dma_wait3A_842 = arith.constant 12 : i32
      %dma_wait3A_843 = arith.constant 0 : i32
      %dma_wait3A_844 = arith.constant 0 : i32
      %dma_wait3A_845 = tpu.memref_slice %arg7[%dma_wait3A_842, %dma_wait3A_843, %dma_wait3A_844] : memref<16x26x64xf32, #tpu.memory_space<vmem>> -> memref<1x26x64xf32, #tpu.memory_space<vmem>>
      %dma_wait3A_846 = tpu.memref_squeeze %dma_wait3A_845 : memref<1x26x64xf32, #tpu.memory_space<vmem>> -> memref<26x64xf32, #tpu.memory_space<vmem>>
      %dma_wait3A_847 = arith.constant 0 : i32
      %dma_wait3A_848 = tpu.memref_slice %arg5[%add3A_460, %dma_wait3A_847] : memref<128x26xi32, #tpu.memory_space<vmem>> -> memref<1x26xi32, #tpu.memory_space<vmem>>
      %dma_wait3A_849 = tpu.memref_squeeze %dma_wait3A_848 : memref<1x26xi32, #tpu.memory_space<vmem>> -> memref<26xi32, #tpu.memory_space<vmem>>
      %dma_wait3A_850 = arith.constant 0 : i32
      %dma_wait3A_851 = arith.constant 0 : i32
      %dma_wait3A_852 = tpu.memref_slice %arg2[%dma_wait3A_850, %dma_wait3A_851] : memref<100000x64xf32, #tpu.memory_space<hbm>> -> memref<100000x64xf32, #tpu.memory_space<hbm>>
      tpu.wait_indirect_dma semaphore(%arg9 : memref<!tpu.dma_semaphore, #tpu.memory_space<semaphore_mem>>) src(%dma_wait3A_852 : memref<100000x64xf32, #tpu.memory_space<hbm>>) dst(%dma_wait3A_846 : memref<26x64xf32, #tpu.memory_space<vmem>>)
      %dma_wait3A_853 = arith.constant 13 : i32
      %dma_wait3A_854 = arith.constant 0 : i32
      %dma_wait3A_855 = arith.constant 0 : i32
      %dma_wait3A_856 = tpu.memref_slice %arg7[%dma_wait3A_853, %dma_wait3A_854, %dma_wait3A_855] : memref<16x26x64xf32, #tpu.memory_space<vmem>> -> memref<1x26x64xf32, #tpu.memory_space<vmem>>
      %dma_wait3A_857 = tpu.memref_squeeze %dma_wait3A_856 : memref<1x26x64xf32, #tpu.memory_space<vmem>> -> memref<26x64xf32, #tpu.memory_space<vmem>>
      %dma_wait3A_858 = arith.constant 0 : i32
      %dma_wait3A_859 = tpu.memref_slice %arg5[%add3A_475, %dma_wait3A_858] : memref<128x26xi32, #tpu.memory_space<vmem>> -> memref<1x26xi32, #tpu.memory_space<vmem>>
      %dma_wait3A_860 = tpu.memref_squeeze %dma_wait3A_859 : memref<1x26xi32, #tpu.memory_space<vmem>> -> memref<26xi32, #tpu.memory_space<vmem>>
      %dma_wait3A_861 = arith.constant 0 : i32
      %dma_wait3A_862 = arith.constant 0 : i32
      %dma_wait3A_863 = tpu.memref_slice %arg2[%dma_wait3A_861, %dma_wait3A_862] : memref<100000x64xf32, #tpu.memory_space<hbm>> -> memref<100000x64xf32, #tpu.memory_space<hbm>>
      tpu.wait_indirect_dma semaphore(%arg9 : memref<!tpu.dma_semaphore, #tpu.memory_space<semaphore_mem>>) src(%dma_wait3A_863 : memref<100000x64xf32, #tpu.memory_space<hbm>>) dst(%dma_wait3A_857 : memref<26x64xf32, #tpu.memory_space<vmem>>)
      %dma_wait3A_864 = arith.constant 14 : i32
      %dma_wait3A_865 = arith.constant 0 : i32
      %dma_wait3A_866 = arith.constant 0 : i32
      %dma_wait3A_867 = tpu.memref_slice %arg7[%dma_wait3A_864, %dma_wait3A_865, %dma_wait3A_866] : memref<16x26x64xf32, #tpu.memory_space<vmem>> -> memref<1x26x64xf32, #tpu.memory_space<vmem>>
      %dma_wait3A_868 = tpu.memref_squeeze %dma_wait3A_867 : memref<1x26x64xf32, #tpu.memory_space<vmem>> -> memref<26x64xf32, #tpu.memory_space<vmem>>
      %dma_wait3A_869 = arith.constant 0 : i32
      %dma_wait3A_870 = tpu.memref_slice %arg5[%add3A_490, %dma_wait3A_869] : memref<128x26xi32, #tpu.memory_space<vmem>> -> memref<1x26xi32, #tpu.memory_space<vmem>>
      %dma_wait3A_871 = tpu.memref_squeeze %dma_wait3A_870 : memref<1x26xi32, #tpu.memory_space<vmem>> -> memref<26xi32, #tpu.memory_space<vmem>>
      %dma_wait3A_872 = arith.constant 0 : i32
      %dma_wait3A_873 = arith.constant 0 : i32
      %dma_wait3A_874 = tpu.memref_slice %arg2[%dma_wait3A_872, %dma_wait3A_873] : memref<100000x64xf32, #tpu.memory_space<hbm>> -> memref<100000x64xf32, #tpu.memory_space<hbm>>
      tpu.wait_indirect_dma semaphore(%arg9 : memref<!tpu.dma_semaphore, #tpu.memory_space<semaphore_mem>>) src(%dma_wait3A_874 : memref<100000x64xf32, #tpu.memory_space<hbm>>) dst(%dma_wait3A_868 : memref<26x64xf32, #tpu.memory_space<vmem>>)
      %dma_wait3A_875 = arith.constant 15 : i32
      %dma_wait3A_876 = arith.constant 0 : i32
      %dma_wait3A_877 = arith.constant 0 : i32
      %dma_wait3A_878 = tpu.memref_slice %arg7[%dma_wait3A_875, %dma_wait3A_876, %dma_wait3A_877] : memref<16x26x64xf32, #tpu.memory_space<vmem>> -> memref<1x26x64xf32, #tpu.memory_space<vmem>>
      %dma_wait3A_879 = tpu.memref_squeeze %dma_wait3A_878 : memref<1x26x64xf32, #tpu.memory_space<vmem>> -> memref<26x64xf32, #tpu.memory_space<vmem>>
      %dma_wait3A_880 = arith.constant 0 : i32
      %dma_wait3A_881 = tpu.memref_slice %arg5[%add3A_505, %dma_wait3A_880] : memref<128x26xi32, #tpu.memory_space<vmem>> -> memref<1x26xi32, #tpu.memory_space<vmem>>
      %dma_wait3A_882 = tpu.memref_squeeze %dma_wait3A_881 : memref<1x26xi32, #tpu.memory_space<vmem>> -> memref<26xi32, #tpu.memory_space<vmem>>
      %dma_wait3A_883 = arith.constant 0 : i32
      %dma_wait3A_884 = arith.constant 0 : i32
      %dma_wait3A_885 = tpu.memref_slice %arg2[%dma_wait3A_883, %dma_wait3A_884] : memref<100000x64xf32, #tpu.memory_space<hbm>> -> memref<100000x64xf32, #tpu.memory_space<hbm>>
      tpu.wait_indirect_dma semaphore(%arg9 : memref<!tpu.dma_semaphore, #tpu.memory_space<semaphore_mem>>) src(%dma_wait3A_885 : memref<100000x64xf32, #tpu.memory_space<hbm>>) dst(%dma_wait3A_879 : memref<26x64xf32, #tpu.memory_space<vmem>>)
      %mul3A_886 = arith.constant 16 : i32
      %mul3A_887 = arith.muli %add3A_709, %mul3A_886 : i32
      %add3A_888 = arith.addi %mul3A_2, %mul3A_887 : i32
      %dma_start3A_889 = arith.constant 0 : i32
      %dma_start3A_890 = arith.constant 0 : i32
      %dma_start3A_891 = tpu.memref_slice %arg4[%add3A_888, %dma_start3A_889, %dma_start3A_890] : memref<4096x26x64xf32, #tpu.memory_space<hbm>> -> memref<16x26x64xf32, #tpu.memory_space<hbm>>
      %dma_start3A_892 = arith.constant 0 : i32
      %dma_start3A_893 = arith.constant 0 : i32
      %dma_start3A_894 = tpu.memref_slice %arg4[%add3A_888, %dma_start3A_892, %dma_start3A_893] : memref<4096x26x64xf32, #tpu.memory_space<hbm>> -> memref<16x26x64xf32, #tpu.memory_space<hbm>>
      tpu.enqueue_dma source(%arg7 : memref<16x26x64xf32, #tpu.memory_space<vmem>>) target(%dma_start3A_894 : memref<16x26x64xf32, #tpu.memory_space<hbm>>) target_semaphore(%arg11 : memref<!tpu.dma_semaphore, #tpu.memory_space<semaphore_mem>>)
    }
    %scan3A_6 = arith.constant 4 : i32
    %dma_wait3A = arith.constant 0 : i32
    %dma_wait3A_7 = arith.constant 0 : i32
    %dma_wait3A_8 = arith.constant 0 : i32
    %dma_wait3A_9 = tpu.memref_slice %arg4[%dma_wait3A, %dma_wait3A_7, %dma_wait3A_8] : memref<4096x26x64xf32, #tpu.memory_space<hbm>> -> memref<16x26x64xf32, #tpu.memory_space<hbm>>
    %dma_wait3A_10 = arith.constant 0 : i32
    %dma_wait3A_11 = arith.constant 0 : i32
    %dma_wait3A_12 = arith.constant 0 : i32
    %dma_wait3A_13 = tpu.memref_slice %arg4[%dma_wait3A_10, %dma_wait3A_11, %dma_wait3A_12] : memref<4096x26x64xf32, #tpu.memory_space<hbm>> -> memref<16x26x64xf32, #tpu.memory_space<hbm>>
    tpu.wait_dma2 semaphore(%arg10 : memref<!tpu.dma_semaphore, #tpu.memory_space<semaphore_mem>>) src(%dma_wait3A_13 : memref<16x26x64xf32, #tpu.memory_space<hbm>>) dst(%arg6 : memref<16x26x64xf32, #tpu.memory_space<vmem>>)
    %dma_wait3A_14 = arith.constant 0 : i32
    %dma_wait3A_15 = arith.constant 0 : i32
    %dma_wait3A_16 = arith.constant 0 : i32
    %dma_wait3A_17 = tpu.memref_slice %arg4[%dma_wait3A_14, %dma_wait3A_15, %dma_wait3A_16] : memref<4096x26x64xf32, #tpu.memory_space<hbm>> -> memref<16x26x64xf32, #tpu.memory_space<hbm>>
    %dma_wait3A_18 = arith.constant 0 : i32
    %dma_wait3A_19 = arith.constant 0 : i32
    %dma_wait3A_20 = arith.constant 0 : i32
    %dma_wait3A_21 = tpu.memref_slice %arg4[%dma_wait3A_18, %dma_wait3A_19, %dma_wait3A_20] : memref<4096x26x64xf32, #tpu.memory_space<hbm>> -> memref<16x26x64xf32, #tpu.memory_space<hbm>>
    tpu.wait_dma2 semaphore(%arg11 : memref<!tpu.dma_semaphore, #tpu.memory_space<semaphore_mem>>) src(%dma_wait3A_21 : memref<16x26x64xf32, #tpu.memory_space<hbm>>) dst(%arg7 : memref<16x26x64xf32, #tpu.memory_space<vmem>>)
    return
  }
}

</mosaic_0001>

<sc_bundles>
// kernel: kernel.3.cloned.1.call-start
scs
__scs_entry_jumppad:
0x0: {  	(pc) =	sbr.rel $0x88, $3  }
0x1: {  	(tag) =	ssettag $0x0;
	lr =	simm.s32 $0x1  }
0x2: {  	[smem:$0x3F9F] =	sst lr;
	_ =	strace $0xD0000000  }
0x3: {  	_ = 	snop  }
0x4: {  	_ = 	snop  }
0x5: {  	_ = 	snop  }
0x6: {  	_ = 	snop  }
0x7: {  	_ = 	snop  }
__scs_overlays_trampoline_lowered:
0x8: {  	[smem:$0x3FAE] =	sst s0  }
0x9: {  	[smem:$0x3FAF] =	sst s1  }
0xa: {  	[smem:$0x3FB0] =	sst s2  }
0xb: {  	[smem:$0x3FB1] =	sst s3  }
0xc: {  	[smem:$0x3FB2] =	sst s4  }
0xd: {  	[smem:$0x3FB3] =	sst s5  }
0xe: {  	[smem:$0x3FB4] =	sst s6  }
0xf: {  	[smem:$0x3FB5] =	sst s7  }
0x10: {  	[smem:$0x3FB6] =	sst s8  }
0x11: {  	[smem:$0x3FB7] =	sst s9;
	s0 =	simm.s32 @!p0 $0x0  }
0x12: {  	s1 =	sld [smem:$0x3F9D];
	s0 =	simm.s32 @p0 $0x1  }
0x13: {  	[smem:$0x3FB8] =	sst s0;
	s0 =	simm.s32 @!p1 $0x0  }
0x14: {  	s2 =	sld [smem:$0x3F9C];
	s0 =	simm.s32 @p1 $0x1  }
0x15: {  	[smem:$0x3FB9] =	sst s0;
	s0 =	simm.s32 @!p2 $0x0  }
0x16: {  	s3 =	sld [smem:$0x3FDB];
	s0 =	simm.s32 @p2 $0x1  }
0x17: {  	s4 =	simm.s32 $0x1BF5;
	[smem:$0x3FBB] =	sst s0  }
0x18: {  	s0 =	sld [smem:$0x3F9E];
	_ =	swait.ge [sflag:s4], $0x0  }
0x19: {  	s7 =	sld [smem:$0x3F9F]  }
0x1a: {  	s8 =	sadd.s32 $0xFFFFE003, lr  }
0x1b: {  	s9 =	sadd.s32 $0xFFFFFEF7, lr;
	s5 =	simm.s32 $0xFFFFFFFF;
	p2 =	slt.u32 s8, $0xFFFFF086  }
0x1c: {  	p1 =	slt.u32 s9, $0xF7A;
	s5 =	simm.s32 @!p2 $0x0  }
0x1d: {  	s5 =	simm.s32 @p1 $0x1;
	p0 =	seq.s32 s7, s2  }
0x1e: {  	s7 =	smul.u32 @!p0 $0xF7A, s2;
	p2 =	seq.s32 @!p0 s5, $0x0  }
0x1f: {  	s9 =	smul.u32 $0xF7A, s1;
	s8 =	simm.s32 @!p0 $0x1BF5;
	p2 =	por !p2, p0  }
0x20: {  	[sflag:s8] =	ssyncset.s32 @!p0 $0xFFFFF086;
	s6 =	sadd.s32 @!p0 s3, s7;
	s7 =	simm.s32 @!p0 $0x108  }
0x21: {  	s3 =	sadd.s32 s3, s9;
	s6 =	sadd.s32 @!p0 $0x88, s6;
	s7 =	simm.s32 @p2 $0x1082  }
0x22: {  	[simem:s7], [sflag:s8] =	dma.local @!p0 [hbm:s6], $0xF7A  }
0x23: {  	s9 =	sor.u32 $0xD0000000, s2;
	s6 =	simm.s32 $0x108;
	_ =	swait.ge @!p0 [sflag:s8], $0x0  }
0x24: {  	s3 =	sadd.s32 $0x88, s3;
	s6 =	simm.s32 @!p1 $0x1082;
	[sflag:s4] =	ssyncset.s32 $0xFFFFF086  }
0x25: {  	[simem:s6], [sflag:s4] =	dma.local [hbm:s3], $0xF7A  }
0x26: {  	[smem:$0x3F9F] =	sst s1;
	(tag) =	ssettag s2;
	_ =	strace s9  }
0x27: {  	s1 =	sld [smem:$0x3FAF]  }
0x28: {  	s2 =	sld [smem:$0x3FB0]  }
0x29: {  	s4 =	sld [smem:$0x3FB2]  }
0x2a: {  	p0 =	seq.s32 s5, $0x0;
	s5 =	sld [smem:$0x3FB3]  }
0x2b: {  	s6 =	sld [smem:$0x3FB4]  }
0x2c: {  	s7 =	sld [smem:$0x3FB5]  }
0x2d: {  	s3 =	simm.s32 $0x108;
	s8 =	sld [smem:$0x3FB6]  }
0x2e: {  	s3 =	simm.s32 @!p0 $0x1082;
	s9 =	sld [smem:$0x3FB7]  }
0x2f: {  	lr =	sadd.s32 s0, s3;
	s0 =	sld [smem:$0x3FAE]  }
0x30: {  	s3 =	sld [smem:$0x3FB1]  }
0x31: {  	[smem:$0x3FBA] =	sst s10  }
0x32: {  	s10 =	sld [smem:$0x3FB8];
	_ =	sdelay $0x3  }
0x33: {  	p0 =	seq.s32 s10, $0x1;
	s10 =	sld [smem:$0x3FBA];
	_ =	sdelay $0x3  }
0x34: {  	[smem:$0x3FBA] =	sst s10  }
0x35: {  	s10 =	sld [smem:$0x3FB9];
	_ =	sdelay $0x3  }
0x36: {  	p1 =	seq.s32 s10, $0x1;
	s10 =	sld [smem:$0x3FBA];
	_ =	sdelay $0x3  }
0x37: {  	[smem:$0x3FBA] =	sst s10  }
0x38: {  	s10 =	sld [smem:$0x3FBB]  }
0x39: {  	_ = 	snop;
	(pc) =	sbr.ind lr, $3  }
0x3a: {  	_ = 	snop  }
0x3b: {  	_ = 	snop  }
0x3c: {  	p2 =	seq.s32 s10, $0x1;
	s10 =	sld [smem:$0x3FBA]  }
0x3d: {  	_ =	shalt  }
0x3e: {  	_ =	shalt  }
0x3f: {  	_ =	shalt  }
0x40: {  	_ =	shalt  }
0x41: {  	_ =	shalt  }
0x42: {  	_ =	shalt  }
0x43: {  	_ =	shalt  }
0x44: {  	_ =	shalt  }
0x45: {  	_ =	shalt  }
0x46: {  	_ =	shalt  }
0x47: {  	_ =	shalt  }
0x48: {  	_ =	shalt  }
0x49: {  	_ =	shalt  }
0x4a: {  	_ =	shalt  }
0x4b: {  	_ =	shalt  }
0x4c: {  	_ =	shalt  }
0x4d: {  	_ =	shalt  }
0x4e: {  	_ =	shalt  }
0x4f: {  	_ =	shalt  }
0x50: {  	_ =	shalt  }
0x51: {  	_ =	shalt  }
0x52: {  	_ =	shalt  }
0x53: {  	_ =	shalt  }
0x54: {  	_ =	shalt  }
0x55: {  	_ =	shalt  }
0x56: {  	_ =	shalt  }
0x57: {  	_ =	shalt  }
0x58: {  	_ =	shalt  }
0x59: {  	_ =	shalt  }
0x5a: {  	_ =	shalt  }
0x5b: {  	_ =	shalt  }
0x5c: {  	_ =	shalt  }
0x5d: {  	_ =	shalt  }
0x5e: {  	_ =	shalt  }
0x5f: {  	_ =	shalt  }
0x60: {  	_ =	shalt  }
0x61: {  	_ =	shalt  }
0x62: {  	_ =	shalt  }
0x63: {  	_ =	shalt  }
0x64: {  	_ =	shalt  }
0x65: {  	_ =	shalt  }
0x66: {  	_ =	shalt  }
0x67: {  	_ =	shalt  }
0x68: {  	_ =	shalt  }
0x69: {  	_ =	shalt  }
0x6a: {  	_ =	shalt  }
0x6b: {  	_ =	shalt  }
0x6c: {  	_ =	shalt  }
0x6d: {  	_ =	shalt  }
0x6e: {  	_ =	shalt  }
0x6f: {  	_ =	shalt  }
0x70: {  	_ =	shalt  }
0x71: {  	_ =	shalt  }
0x72: {  	_ =	shalt  }
0x73: {  	_ =	shalt  }
0x74: {  	_ =	shalt  }
0x75: {  	_ =	shalt  }
0x76: {  	_ =	shalt  }
0x77: {  	_ =	shalt  }
0x78: {  	_ =	shalt  }
0x79: {  	_ =	shalt  }
0x7a: {  	_ =	shalt  }
0x7b: {  	_ =	shalt  }
0x7c: {  	_ =	shalt  }
0x7d: {  	_ =	shalt  }
0x7e: {  	_ =	shalt  }
0x7f: {  	_ =	shalt  }
0x80: {  	_ =	shalt  }
0x81: {  	_ =	shalt  }
0x82: {  	_ =	shalt  }
0x83: {  	_ =	shalt  }
0x84: {  	_ =	shalt  }
0x85: {  	_ =	shalt  }
0x86: {  	_ =	shalt  }
0x87: {  	_ =	shalt  }
.Lfunc_end0:
.L_simem_size_0:
called_computation_lowered:
.L_overlay_start_0:
0x88: {  	s2 =	sld [smem:$0x3FD9]  }
0x89: {  	s3 =	sld [smem:$0x3FFE];
	_ =	sdelay $0x1  }
0x8a: {  	s1 =	srdreg.scid  }
0x8b: {  	s0 =	sand.u32 $0x1, s1  }
0x8c: {  	s17 =	sshll.u32 s0, $0xA;
	s2 =	sadd.s32 s3, s2  }
0x8d: {  	s2 =	sadd.s32 s2, s17  }
0x8e: {  	[smem:$0x3FC6] =	sst s2  }
0x8f: {  	_ = 	snop  }
0x90: {  	s2 =	sld [smem:$0x3FD0];
	(tm) =	ssettm $0x1  }
0x91: {  	s18 =	sld [smem:$0x3FFB];
	_ =	sdelay $0x3  }
0x92: {  	_ =	strace s18  }
0x93: {  	s3 =	sld [smem:$0x3FFC];
	_ =	sdelay $0x3  }
0x94: {  	_ =	strace s3  }
0x95: {  	s3 =	sld [smem:$0x3FFD];
	_ =	sdelay $0x3  }
0x96: {  	_ =	strace s3  }
0x97: {  	_ =	strace $0x8FFFFFFF  }
0x98: {  	s19 =	sld [smem:$0x3FDB];
	_ =	sdelay $0x1  }
0x99: {  	s4 =	simm.s32 $_scs_section_size  }
0x9a: {  	s5 =	simm.s32 $_size__tile_overlayer_lowered;
	s6 =	simm.s32 $_tile_overlayer_lowered  }
0x9b: {  	s22 =	simm.s32 $0x1BFF;
	s21 =	sshll.u32 s6, $0x1;
	s3 =	sadd.s32 s4, s19  }
0x9c: {  	s7 =	simm.s32 $0x0;
	s20 =	sshll.u32 s5, $0x1;
	s5 =	sadd.s32 s21, s3  }
0x9d: {  	[timem:s7], [sflag:s22] =	dma.local [hbm:s5], s20  }
0x9e: {  	_ =	swait.ge [sflag:s22], s20  }
0x9f: {  	s4 =	ssub.s32 $0x0, s20;
	[sflag:s22] =	ssyncset.done $0x0  }
0xa0: {  	[sflag:s22] =	ssyncadd.s32 s4;
	_ =	sdelay $0x1  }
0xa1: {  	s23 =	simm.s32 $0x1B8B  }
0xa2: {  	_ =	swait.ge [sflag:s23], $0x1  }
0xa3: {  	[sflag:s23] =	ssyncset.done $0x0  }
0xa4: {  	s25 =	simm.s32 $0x1B8E;
	s24 =	sld [smem:$0x3FFE];
	[sflag:s23] =	ssyncadd.s32 $0xFFFFFFFF  }
0xa5: {  	s26 =	simm.s32 $execute0_lowered;
	[smem:$0x3FD2] =	sst s25  }
0xa6: {  	s5 =	sshll.u32 s26, $0x1;
	_ =	strace $0x80000046;
	[dreg:$0x1] =	wrdreg $0xFFFFFFFF  }
0xa7: {  	s28 =	simm.s32 $_size_execute0_lowered;
	s3 =	sadd.s32 s3, s5;
	[dreg:$0x0] =	wrdreg $0x0  }
0xa8: {  	s5 =	sshll.u32 s28, $0x1;
	[dreg:$0x2] =	wrdreg s3  }
0xa9: {  	[dreg:$0x3] =	wrdreg s5  }
0xaa: {  	[dreg:$0x4] =	wrdreg $0xC0  }
0xab: {  	_ =	task [dreg:s7], $0x5FFFF  }
0xac: {  	[dreg:$0x1] =	wrdreg $0xFFFFFFFF  }
0xad: {  	[dreg:$0x0] =	wrdreg $0x60  }
0xae: {  	[dreg:$0x2] =	wrdreg s24  }
0xaf: {  	[dreg:$0x3] =	wrdreg s2  }
0xb0: {  	[dreg:$0x4] =	wrdreg $0x9  }
0xb1: {  	_ =	task.clear_ibuf [dreg:s7], $0x5FFFF;
	_ =	strace $0x90000046  }
0xb2: {  	s29 =	simm.s32 $0x9;
	_ =	strace $0x80000048  }
0xb3: {  	_ =	swait.ge [sflag:s29], $0x1  }
0xb4: {  	[sflag:s29] =	ssyncadd.s32 $0xFFFFFFFF  }
0xb5: {  	_ =	strace $0x90000048  }
0xb6: {  	_ =	sfence  }
0xb7: {  	s30 =	sld [smem:$0x0];
	_ =	sdelay $0x2  }
0xb8: {  	s31 =	sshll.u32 s1, $0xD;
	s1 =	sshrl.u32 s1, $0x2  }
0xb9: {  	s3 =	sand.u32 $0x4000, s31;
	s1 =	sadd.s32 s1, s30  }
0xba: {  	s0 =	sor.u32 s3, s0;
	s1 =	sshll.u32 s1, $0x11  }
0xbb: {  	s0 =	sor.u32 s1, s0  }
0xbc: {  	s0 =	sadd.s32 $0x8F2B, s0  }
0xbd: {  	[sflag:s0] =	ssyncadd.remote.s32 $0x1  }
0xbe: {  	_ =	sfence.sel $0xFFFF  }
0xbf: {  	[dreg:$0x0] =	wrdreg $0xFFFFFFFF;
	(pc) =	sbr.abs _section_cstart, $3  }
0xc0: {  	[dreg:$0x1] =	wrdreg $0xFFFFFFFF  }
0xc1: {  	_ =	task.clear_ibuf [dreg:s7], $0x2FFFF;
	_ =	strace $0x9FFFFFFF  }
0xc2: {  	(tm) =	ssettm $0x7FFFFFFF  }
0xc3: {  	_ =	shalt  }
tec
execute0_lowered:
.L_overlay_start_1:
0x0: {  	(tag) =	ssettag $0x1  }
0x1: {  	s4 =	rddreg [dreg:$0x0]  }
0x2: {  	s6 =	rddreg [dreg:$0x1]  }
0x3: {  	s0 =	rddreg [dreg:$0x2];
	s1 =	simm.s32 $0x0  }
0x4: {  	s2 =	simm.s32 $0x1680;
	[smem:$0x7FF] =	sst s1  }
0x5: {  	s29 =	simm.s32 $0x1D00;
	_ =	strace $0x80000047;
	[dreg:$0x3] =	wrdreg s2  }
0x6: {  	s30 =	simm.s32 $0x2380;
	[dreg:$0x4] =	wrdreg s29  }
0x7: {  	s31 =	simm.s32 $0x2A00;
	[dreg:$0x5] =	wrdreg s30  }
0x8: {  	s3 =	simm.s32 $0x3080;
	[dreg:$0x6] =	wrdreg s31  }
0x9: {  	s5 =	simm.s32 $0x3700;
	[dreg:$0x7] =	wrdreg s3  }
0xa: {  	s7 =	simm.s32 $0x3D80;
	[dreg:$0x8] =	wrdreg s5  }
0xb: {  	s8 =	simm.s32 $0x4400;
	[dreg:$0x9] =	wrdreg s7  }
0xc: {  	s9 =	simm.s32 $0x5100;
	[dreg:$0xa] =	wrdreg s8  }
0xd: {  	s10 =	simm.s32 $0x5E00;
	[dreg:$0xc] =	wrdreg s9  }
0xe: {  	s11 =	simm.s32 $0x6480;
	[dreg:$0xe] =	wrdreg s10  }
0xf: {  	s13 =	simm.s32 $0x6B00;
	[dreg:$0xf] =	wrdreg s11  }
0x10: {  	s14 =	simm.s32 $0x7180;
	[dreg:$0x10] =	wrdreg s13  }
0x11: {  	s15 =	simm.s32 $0x7E80;
	[dreg:$0x11] =	wrdreg s14  }
0x12: {  	s16 =	simm.s32 $0x8500;
	[dreg:$0x12] =	wrdreg s15  }
0x13: {  	s18 =	simm.s32 $0x8B80;
	[dreg:$0x13] =	wrdreg s16  }
0x14: {  	s20 =	simm.s32 $0x9200;
	[dreg:$0x14] =	wrdreg s18  }
0x15: {  	s21 =	simm.s32 $0x9880;
	[dreg:$0x15] =	wrdreg s20  }
0x16: {  	s22 =	simm.s32 $0x9F00;
	[dreg:$0x16] =	wrdreg s21  }
0x17: {  	s23 =	simm.s32 $0xA580;
	[dreg:$0x17] =	wrdreg s22  }
0x18: {  	s25 =	simm.s32 $0xAC00;
	[dreg:$0x18] =	wrdreg s23  }
0x19: {  	s26 =	simm.s32 $0xB280;
	[dreg:$0x19] =	wrdreg s25  }
0x1a: {  	s28 =	simm.s32 $0xB900;
	[dreg:$0x1a] =	wrdreg s26  }
0x1b: {  	s3 =	simm.s32 $0x4A80;
	[dreg:$0x1b] =	wrdreg s28  }
0x1c: {  	s2 =	sadd.s32 $0x18AE00, s4;
	s7 =	simm.s32 $0x5780;
	[dreg:$0xb] =	wrdreg s3  }
0x1d: {  	s5 =	srdreg.scid;
	s29 =	simm.s32 $0xBF80;
	[dreg:$0xd] =	wrdreg s7  }
0x1e: {  	s30 =	simm.s32 $0xC600;
	s10 =	simm.s32 $0xCC80;
	[dreg:$0x1c] =	wrdreg s29  }
0x1f: {  	s11 =	simm.s32 $0xD300;
	s31 =	simm.s32 $0xD980;
	[dreg:$0x1d] =	wrdreg s30  }
0x20: {  	s13 =	simm.s32 $0x3;
	s14 =	simm.s32 $0x4;
	[dreg:$0x1e] =	wrdreg s10  }
0x21: {  	s15 =	simm.s32 $0x0;
	s3 =	stileid.u32;
	[dreg:$0x1f] =	wrdreg s11  }
0x22: {  	s8 =	sand.u32 $0x1, s5;
	s10 =	simm.s32 $0x7800;
	[smem:$0x7FD] =	sst s31  }
0x23: {  	s11 =	simm.s32 $0x1;
	s12 =	sshll.u32 s3, $0xA;
	s24 =	smul.u32 $0xD000, s3  }
0x24: {  	s9 =	sshll.u32 s8, $0x9;
	s17 =	ssub.s32 $0x2, s8;
	s8 =	smul.u32 $0x6800, s8  }
0x25: {  	s7 =	sor.u32 s9, s12;
	s19 =	sshrl.u32 s17, $0x1;
	s9 =	simm.s32 $0x1000  }
0x26: {  	s12 =	simm.s32 $0x2;
	s4 =	sadd.s32 s7, s4;
	s7 =	ssub.s32 s17, s19  }
0x27: {  	s6 =	sadd.s32 s24, s6;
	s4 =	sadd.s32 $0x400, s4;
	s5 =	smax.u32 s7, $0x1  }
0x28: {  	s6 =	sadd.s32 s8, s6;
	s7 =	simm.s32 $0x5;
	s8 =	simm.s32 $0x1A  }
.LBB2_1:
0x29: {  	[tilespmem:s1], [sflag:$0x5] =	stream.linear.gather [hbm4b:s4+s1], $0x1000, $0x38;
	[tilespmem:$0xE000] =	vst v63  }
0x2a: {  	_ =	swait.ge [sflag:s7], $0x1000  }
0x2b: {  	p0 =	por $0x1, $0x1;
	[sflag:s7] =	ssyncset.done $0x0  }
0x2c: {  	s16 =	simm.s32 @!p0 $0x3;
	[sflag:s7] =	ssyncadd.s32 $0xFFFFF000  }
0x2d: {  	_ =	swait.ge @!p0 [sflag:s16], $0x6800  }
0x2e: {  	[sflag:s16] =	ssyncset.done @!p0 $0x0  }
0x2f: {  	s21 =	simm.s32 $0x0;
	[sflag:s16] =	ssyncadd.s32 @!p0 $0xFFFF9800  }
0x30: {  	[tilespmem:s9], [sflag:$0x1] =	stream.indirect.gather [hbm4b:s2+s8], $0x40, s21, s8, $0xb8;
	[tilespmem:$0xE000] =	vst v63  }
0x31: {  	s22 =	simm.s32 $0x20;
	s17 =	rddreg [dreg:$0x3]  }
0x32: {  	[tilespmem:s17], [sflag:$0x1] =	stream.indirect.gather [hbm4b:s2+s8], $0x40, s22, s8, $0xb8;
	[tilespmem:$0xE000] =	vst v63  }
0x33: {  	s23 =	simm.s32 $0x40;
	s18 =	rddreg [dreg:$0x4]  }
0x34: {  	[tilespmem:s18], [sflag:$0x1] =	stream.indirect.gather [hbm4b:s2+s8], $0x40, s23, s8, $0xb8;
	[tilespmem:$0xE000] =	vst v63  }
0x35: {  	s25 =	simm.s32 $0x60;
	s24 =	rddreg [dreg:$0x5]  }
0x36: {  	[tilespmem:s24], [sflag:$0x1] =	stream.indirect.gather [hbm4b:s2+s8], $0x40, s25, s8, $0xb8;
	[tilespmem:$0xE000] =	vst v63  }
0x37: {  	s28 =	simm.s32 $0x80;
	s26 =	rddreg [dreg:$0x6]  }
0x38: {  	[tilespmem:s26], [sflag:$0x1] =	stream.indirect.gather [hbm4b:s2+s8], $0x40, s28, s8, $0xb8;
	[tilespmem:$0xE000] =	vst v63  }
0x39: {  	s30 =	simm.s32 $0xA0;
	s29 =	rddreg [dreg:$0x7]  }
0x3a: {  	[tilespmem:s29], [sflag:$0x1] =	stream.indirect.gather [hbm4b:s2+s8], $0x40, s30, s8, $0xb8;
	[tilespmem:$0xE000] =	vst v63  }
0x3b: {  	s19 =	simm.s32 $0xC0;
	s31 =	rddreg [dreg:$0x8]  }
0x3c: {  	[tilespmem:s31], [sflag:$0x1] =	stream.indirect.gather [hbm4b:s2+s8], $0x40, s19, s8, $0xb8;
	[tilespmem:$0xE000] =	vst v63  }
0x3d: {  	s20 =	rddreg [dreg:$0x9];
	s21 =	simm.s32 $0xE0  }
0x3e: {  	[tilespmem:s20], [sflag:$0x1] =	stream.indirect.gather [hbm4b:s2+s8], $0x40, s21, s8, $0xb8;
	[tilespmem:$0xE000] =	vst v63  }
0x3f: {  	s22 =	rddreg [dreg:$0xa];
	s23 =	simm.s32 $0x100  }
0x40: {  	[tilespmem:s22], [sflag:$0x1] =	stream.indirect.gather [hbm4b:s2+s8], $0x40, s23, s8, $0xb8;
	[tilespmem:$0xE000] =	vst v63  }
0x41: {  	s24 =	rddreg [dreg:$0xb];
	s25 =	simm.s32 $0x120  }
0x42: {  	[tilespmem:s24], [sflag:$0x1] =	stream.indirect.gather [hbm4b:s2+s8], $0x40, s25, s8, $0xb8;
	[tilespmem:$0xE000] =	vst v63  }
0x43: {  	s26 =	rddreg [dreg:$0xc];
	s28 =	simm.s32 $0x140  }
0x44: {  	[tilespmem:s26], [sflag:$0x1] =	stream.indirect.gather [hbm4b:s2+s8], $0x40, s28, s8, $0xb8;
	[tilespmem:$0xE000] =	vst v63  }
0x45: {  	s29 =	rddreg [dreg:$0xd];
	s30 =	simm.s32 $0x160  }
0x46: {  	[tilespmem:s29], [sflag:$0x1] =	stream.indirect.gather [hbm4b:s2+s8], $0x40, s30, s8, $0xb8;
	[tilespmem:$0xE000] =	vst v63  }
0x47: {  	s17 =	simm.s32 $0x180;
	s31 =	rddreg [dreg:$0xe]  }
0x48: {  	[tilespmem:s31], [sflag:$0x1] =	stream.indirect.gather [hbm4b:s2+s8], $0x40, s17, s8, $0xb8;
	[tilespmem:$0xE000] =	vst v63  }
0x49: {  	s19 =	rddreg [dreg:$0xf];
	s20 =	simm.s32 $0x1A0  }
0x4a: {  	[tilespmem:s19], [sflag:$0x1] =	stream.indirect.gather [hbm4b:s2+s8], $0x40, s20, s8, $0xb8;
	[tilespmem:$0xE000] =	vst v63  }
0x4b: {  	s21 =	rddreg [dreg:$0x10];
	s22 =	simm.s32 $0x1C0  }
0x4c: {  	[tilespmem:s21], [sflag:$0x1] =	stream.indirect.gather [hbm4b:s2+s8], $0x40, s22, s8, $0xb8;
	[tilespmem:$0xE000] =	vst v63  }
0x4d: {  	s18 =	simm.s32 @!p0 $0x4;
	s23 =	rddreg [dreg:$0x11];
	s24 =	simm.s32 $0x1E0  }
0x4e: {  	[tilespmem:s23], [sflag:$0x1] =	stream.indirect.gather [hbm4b:s2+s8], $0x40, s24, s8, $0xb8;
	[tilespmem:$0xE000] =	vst v63  }
0x4f: {  	_ =	swait.ge @!p0 [sflag:s18], $0x6800  }
0x50: {  	[sflag:s18] =	ssyncset.done @!p0 $0x0  }
0x51: {  	s25 =	simm.s32 $0x200;
	s26 =	rddreg [dreg:$0x12];
	[sflag:s18] =	ssyncadd.s32 @!p0 $0xFFFF9800  }
0x52: {  	[tilespmem:s10], [sflag:$0x2] =	stream.indirect.gather [hbm4b:s2+s8], $0x40, s25, s8, $0xb8;
	[tilespmem:$0xE000] =	vst v63  }
0x53: {  	s28 =	simm.s32 $0x220;
	s29 =	rddreg [dreg:$0x13]  }
0x54: {  	[tilespmem:s26], [sflag:$0x2] =	stream.indirect.gather [hbm4b:s2+s8], $0x40, s28, s8, $0xb8;
	[tilespmem:$0xE000] =	vst v63  }
0x55: {  	s30 =	simm.s32 $0x240;
	s31 =	rddreg [dreg:$0x14]  }
0x56: {  	[tilespmem:s29], [sflag:$0x2] =	stream.indirect.gather [hbm4b:s2+s8], $0x40, s30, s8, $0xb8;
	[tilespmem:$0xE000] =	vst v63  }
0x57: {  	s19 =	simm.s32 $0x260;
	s20 =	rddreg [dreg:$0x15]  }
0x58: {  	[tilespmem:s31], [sflag:$0x2] =	stream.indirect.gather [hbm4b:s2+s8], $0x40, s19, s8, $0xb8;
	[tilespmem:$0xE000] =	vst v63  }
0x59: {  	s21 =	simm.s32 $0x280;
	s22 =	rddreg [dreg:$0x16]  }
0x5a: {  	[tilespmem:s20], [sflag:$0x2] =	stream.indirect.gather [hbm4b:s2+s8], $0x40, s21, s8, $0xb8;
	[tilespmem:$0xE000] =	vst v63  }
0x5b: {  	s23 =	simm.s32 $0x2A0;
	s24 =	rddreg [dreg:$0x17]  }
0x5c: {  	[tilespmem:s22], [sflag:$0x2] =	stream.indirect.gather [hbm4b:s2+s8], $0x40, s23, s8, $0xb8;
	[tilespmem:$0xE000] =	vst v63  }
0x5d: {  	s25 =	simm.s32 $0x2C0;
	s26 =	rddreg [dreg:$0x18]  }
0x5e: {  	[tilespmem:s24], [sflag:$0x2] =	stream.indirect.gather [hbm4b:s2+s8], $0x40, s25, s8, $0xb8;
	[tilespmem:$0xE000] =	vst v63  }
0x5f: {  	s28 =	simm.s32 $0x2E0;
	s29 =	rddreg [dreg:$0x19]  }
0x60: {  	[tilespmem:s26], [sflag:$0x2] =	stream.indirect.gather [hbm4b:s2+s8], $0x40, s28, s8, $0xb8;
	[tilespmem:$0xE000] =	vst v63  }
0x61: {  	s30 =	simm.s32 $0x300;
	s31 =	rddreg [dreg:$0x1a]  }
0x62: {  	[tilespmem:s29], [sflag:$0x2] =	stream.indirect.gather [hbm4b:s2+s8], $0x40, s30, s8, $0xb8;
	[tilespmem:$0xE000] =	vst v63  }
0x63: {  	s18 =	simm.s32 $0x320;
	s19 =	rddreg [dreg:$0x1b]  }
0x64: {  	[tilespmem:s31], [sflag:$0x2] =	stream.indirect.gather [hbm4b:s2+s8], $0x40, s18, s8, $0xb8;
	[tilespmem:$0xE000] =	vst v63  }
0x65: {  	s20 =	simm.s32 $0x340;
	s21 =	rddreg [dreg:$0x1c]  }
0x66: {  	[tilespmem:s19], [sflag:$0x2] =	stream.indirect.gather [hbm4b:s2+s8], $0x40, s20, s8, $0xb8;
	[tilespmem:$0xE000] =	vst v63  }
0x67: {  	s22 =	simm.s32 $0x360;
	s23 =	rddreg [dreg:$0x1d]  }
0x68: {  	[tilespmem:s21], [sflag:$0x2] =	stream.indirect.gather [hbm4b:s2+s8], $0x40, s22, s8, $0xb8;
	[tilespmem:$0xE000] =	vst v63  }
0x69: {  	s24 =	simm.s32 $0x380;
	s25 =	rddreg [dreg:$0x1e]  }
0x6a: {  	[tilespmem:s23], [sflag:$0x2] =	stream.indirect.gather [hbm4b:s2+s8], $0x40, s24, s8, $0xb8;
	[tilespmem:$0xE000] =	vst v63  }
0x6b: {  	s26 =	simm.s32 $0x3A0;
	s28 =	rddreg [dreg:$0x1f]  }
0x6c: {  	[tilespmem:s25], [sflag:$0x2] =	stream.indirect.gather [hbm4b:s2+s8], $0x40, s26, s8, $0xb8;
	[tilespmem:$0xE000] =	vst v63  }
0x6d: {  	s29 =	simm.s32 $0x3C0;
	s30 =	sld [smem:$0x7FD]  }
0x6e: {  	[tilespmem:s28], [sflag:$0x2] =	stream.indirect.gather [hbm4b:s2+s8], $0x40, s29, s8, $0xb8;
	[tilespmem:$0xE000] =	vst v63  }
0x6f: {  	s31 =	simm.s32 $0x3E0  }
0x70: {  	[tilespmem:s30], [sflag:$0x2] =	stream.indirect.gather [hbm4b:s2+s8], $0x40, s31, s8, $0xb8;
	[tilespmem:$0xE000] =	vst v63  }
0x71: {  	_ =	swait.ge [sflag:s11], $0x680  }
0x72: {  	[sflag:s11] =	ssyncset.done $0x0  }
0x73: {  	[sflag:s11] =	ssyncadd.s32 $0xFFFFF980  }
0x74: {  	_ =	swait.ge [sflag:s11], $0x680  }
0x75: {  	[sflag:s11] =	ssyncset.done $0x0  }
0x76: {  	[sflag:s11] =	ssyncadd.s32 $0xFFFFF980  }
0x77: {  	_ =	swait.ge [sflag:s11], $0x680  }
0x78: {  	[sflag:s11] =	ssyncset.done $0x0  }
0x79: {  	[sflag:s11] =	ssyncadd.s32 $0xFFFFF980  }
0x7a: {  	_ =	swait.ge [sflag:s11], $0x680  }
0x7b: {  	[sflag:s11] =	ssyncset.done $0x0  }
0x7c: {  	[sflag:s11] =	ssyncadd.s32 $0xFFFFF980  }
0x7d: {  	_ =	swait.ge [sflag:s11], $0x680  }
0x7e: {  	[sflag:s11] =	ssyncset.done $0x0  }
0x7f: {  	[sflag:s11] =	ssyncadd.s32 $0xFFFFF980  }
0x80: {  	_ =	swait.ge [sflag:s11], $0x680  }
0x81: {  	[sflag:s11] =	ssyncset.done $0x0  }
0x82: {  	[sflag:s11] =	ssyncadd.s32 $0xFFFFF980  }
0x83: {  	_ =	swait.ge [sflag:s11], $0x680  }
0x84: {  	[sflag:s11] =	ssyncset.done $0x0  }
0x85: {  	[sflag:s11] =	ssyncadd.s32 $0xFFFFF980  }
0x86: {  	_ =	swait.ge [sflag:s11], $0x680  }
0x87: {  	[sflag:s11] =	ssyncset.done $0x0  }
0x88: {  	[sflag:s11] =	ssyncadd.s32 $0xFFFFF980  }
0x89: {  	_ =	swait.ge [sflag:s11], $0x680  }
0x8a: {  	[sflag:s11] =	ssyncset.done $0x0  }
0x8b: {  	[sflag:s11] =	ssyncadd.s32 $0xFFFFF980  }
0x8c: {  	_ =	swait.ge [sflag:s11], $0x680  }
0x8d: {  	[sflag:s11] =	ssyncset.done $0x0  }
0x8e: {  	[sflag:s11] =	ssyncadd.s32 $0xFFFFF980  }
0x8f: {  	_ =	swait.ge [sflag:s11], $0x680  }
0x90: {  	[sflag:s11] =	ssyncset.done $0x0  }
0x91: {  	[sflag:s11] =	ssyncadd.s32 $0xFFFFF980  }
0x92: {  	_ =	swait.ge [sflag:s11], $0x680  }
0x93: {  	[sflag:s11] =	ssyncset.done $0x0  }
0x94: {  	[sflag:s11] =	ssyncadd.s32 $0xFFFFF980  }
0x95: {  	_ =	swait.ge [sflag:s11], $0x680  }
0x96: {  	[sflag:s11] =	ssyncset.done $0x0  }
0x97: {  	[sflag:s11] =	ssyncadd.s32 $0xFFFFF980  }
0x98: {  	_ =	swait.ge [sflag:s11], $0x680  }
0x99: {  	[sflag:s11] =	ssyncset.done $0x0  }
0x9a: {  	[sflag:s11] =	ssyncadd.s32 $0xFFFFF980  }
0x9b: {  	_ =	swait.ge [sflag:s11], $0x680  }
0x9c: {  	[sflag:s11] =	ssyncset.done $0x0  }
0x9d: {  	[sflag:s11] =	ssyncadd.s32 $0xFFFFF980  }
0x9e: {  	_ =	swait.ge [sflag:s11], $0x680  }
0x9f: {  	[sflag:s11] =	ssyncset.done $0x0  }
0xa0: {  	[sflag:s11] =	ssyncadd.s32 $0xFFFFF980  }
0xa1: {  	[hbm4b:s6+s1] =	stream.linear.scatter [tilespmem:s9], [sflag:$0x3], $0x6800, $0x38;
	[tilespmem:$0xE000] =	vst v63  }
0xa2: {  	_ =	swait.ge [sflag:s12], $0x680  }
0xa3: {  	[sflag:s12] =	ssyncset.done $0x0  }
0xa4: {  	[sflag:s12] =	ssyncadd.s32 $0xFFFFF980  }
0xa5: {  	_ =	swait.ge [sflag:s12], $0x680  }
0xa6: {  	[sflag:s12] =	ssyncset.done $0x0  }
0xa7: {  	[sflag:s12] =	ssyncadd.s32 $0xFFFFF980  }
0xa8: {  	_ =	swait.ge [sflag:s12], $0x680  }
0xa9: {  	[sflag:s12] =	ssyncset.done $0x0  }
0xaa: {  	[sflag:s12] =	ssyncadd.s32 $0xFFFFF980  }
0xab: {  	_ =	swait.ge [sflag:s12], $0x680  }
0xac: {  	[sflag:s12] =	ssyncset.done $0x0  }
0xad: {  	[sflag:s12] =	ssyncadd.s32 $0xFFFFF980  }
0xae: {  	_ =	swait.ge [sflag:s12], $0x680  }
0xaf: {  	[sflag:s12] =	ssyncset.done $0x0  }
0xb0: {  	[sflag:s12] =	ssyncadd.s32 $0xFFFFF980  }
0xb1: {  	_ =	swait.ge [sflag:s12], $0x680  }
0xb2: {  	[sflag:s12] =	ssyncset.done $0x0  }
0xb3: {  	[sflag:s12] =	ssyncadd.s32 $0xFFFFF980  }
0xb4: {  	_ =	swait.ge [sflag:s12], $0x680  }
0xb5: {  	[sflag:s12] =	ssyncset.done $0x0  }
0xb6: {  	[sflag:s12] =	ssyncadd.s32 $0xFFFFF980  }
0xb7: {  	_ =	swait.ge [sflag:s12], $0x680  }
0xb8: {  	[sflag:s12] =	ssyncset.done $0x0  }
0xb9: {  	[sflag:s12] =	ssyncadd.s32 $0xFFFFF980  }
0xba: {  	_ =	swait.ge [sflag:s12], $0x680  }
0xbb: {  	[sflag:s12] =	ssyncset.done $0x0  }
0xbc: {  	[sflag:s12] =	ssyncadd.s32 $0xFFFFF980  }
0xbd: {  	_ =	swait.ge [sflag:s12], $0x680  }
0xbe: {  	[sflag:s12] =	ssyncset.done $0x0  }
0xbf: {  	[sflag:s12] =	ssyncadd.s32 $0xFFFFF980  }
0xc0: {  	_ =	swait.ge [sflag:s12], $0x680  }
0xc1: {  	[sflag:s12] =	ssyncset.done $0x0  }
0xc2: {  	[sflag:s12] =	ssyncadd.s32 $0xFFFFF980  }
0xc3: {  	_ =	swait.ge [sflag:s12], $0x680  }
0xc4: {  	[sflag:s12] =	ssyncset.done $0x0  }
0xc5: {  	[sflag:s12] =	ssyncadd.s32 $0xFFFFF980  }
0xc6: {  	_ =	swait.ge [sflag:s12], $0x680  }
0xc7: {  	[sflag:s12] =	ssyncset.done $0x0  }
0xc8: {  	[sflag:s12] =	ssyncadd.s32 $0xFFFFF980  }
0xc9: {  	_ =	swait.ge [sflag:s12], $0x680  }
0xca: {  	[sflag:s12] =	ssyncset.done $0x0  }
0xcb: {  	[sflag:s12] =	ssyncadd.s32 $0xFFFFF980  }
0xcc: {  	_ =	swait.ge [sflag:s12], $0x680  }
0xcd: {  	[sflag:s12] =	ssyncset.done $0x0  }
0xce: {  	p1 =	por $0x0, $0x0;
	[sflag:s12] =	ssyncadd.s32 $0xFFFFF980  }
0xcf: {  	s16 =	sadd.s32 $0x1A00, s6;
	s17 =	simm.s32 $0x1000;
	_ =	swait.ge [sflag:s12], $0x680  }
0xd0: {  	s18 =	simm.s32 $0x2000;
	s20 =	sadd.s32 $0xD00, s6;
	[sflag:s12] =	ssyncset.done $0x0  }
.LBB2_2:
0xd1: {  	s21 =	simm.s32 @!p1 $0x3;
	[sflag:s12] =	ssyncadd.s32 $0xFFFFF980  }
0xd2: {  	[hbm4b:s20+s1] =	stream.linear.scatter [tilespmem:s10], [sflag:$0x4], $0x6800, $0x38;
	[tilespmem:$0xE000] =	vst v63  }
0xd3: {  	_ =	swait.ge @!p1 [sflag:s21], $0x6800  }
0xd4: {  	[sflag:s21] =	ssyncset.done @!p1 $0x0  }
0xd5: {  	s20 =	sshra.s32 s17, $0x2;
	[sflag:s21] =	ssyncadd.s32 @!p1 $0xFFFF9800  }
0xd6: {  	[tilespmem:s9], [sflag:$0x1] =	stream.indirect.gather [hbm4b:s2+s8], $0x40, s20, s8, $0xb8;
	[tilespmem:$0xE000] =	vst v63  }
0xd7: {  	s23 =	sadd.s32 $0x20, s20;
	s29 =	rddreg [dreg:$0x3]  }
0xd8: {  	[tilespmem:s29], [sflag:$0x1] =	stream.indirect.gather [hbm4b:s2+s8], $0x40, s23, s8, $0xb8;
	[tilespmem:$0xE000] =	vst v63  }
0xd9: {  	s30 =	sadd.s32 $0x40, s20;
	s24 =	rddreg [dreg:$0x4]  }
0xda: {  	[tilespmem:s24], [sflag:$0x1] =	stream.indirect.gather [hbm4b:s2+s8], $0x40, s30, s8, $0xb8;
	[tilespmem:$0xE000] =	vst v63  }
0xdb: {  	s31 =	rddreg [dreg:$0x5];
	s23 =	sadd.s32 $0x60, s20  }
0xdc: {  	[tilespmem:s31], [sflag:$0x1] =	stream.indirect.gather [hbm4b:s2+s8], $0x40, s23, s8, $0xb8;
	[tilespmem:$0xE000] =	vst v63  }
0xdd: {  	s25 =	sadd.s32 $0x80, s20;
	s24 =	rddreg [dreg:$0x6]  }
0xde: {  	[tilespmem:s24], [sflag:$0x1] =	stream.indirect.gather [hbm4b:s2+s8], $0x40, s25, s8, $0xb8;
	[tilespmem:$0xE000] =	vst v63  }
0xdf: {  	s28 =	sadd.s32 $0xA0, s20;
	s26 =	rddreg [dreg:$0x7]  }
0xe0: {  	[tilespmem:s26], [sflag:$0x1] =	stream.indirect.gather [hbm4b:s2+s8], $0x40, s28, s8, $0xb8;
	[tilespmem:$0xE000] =	vst v63  }
0xe1: {  	s29 =	rddreg [dreg:$0x8];
	s30 =	sadd.s32 $0xC0, s20  }
0xe2: {  	[tilespmem:s29], [sflag:$0x1] =	stream.indirect.gather [hbm4b:s2+s8], $0x40, s30, s8, $0xb8;
	[tilespmem:$0xE000] =	vst v63  }
0xe3: {  	s31 =	rddreg [dreg:$0x9];
	s23 =	sadd.s32 $0xE0, s20  }
0xe4: {  	[tilespmem:s31], [sflag:$0x1] =	stream.indirect.gather [hbm4b:s2+s8], $0x40, s23, s8, $0xb8;
	[tilespmem:$0xE000] =	vst v63  }
0xe5: {  	s24 =	rddreg [dreg:$0xa];
	s25 =	sadd.s32 $0x100, s20  }
0xe6: {  	[tilespmem:s24], [sflag:$0x1] =	stream.indirect.gather [hbm4b:s2+s8], $0x40, s25, s8, $0xb8;
	[tilespmem:$0xE000] =	vst v63  }
0xe7: {  	s26 =	rddreg [dreg:$0xb];
	s28 =	sadd.s32 $0x120, s20  }
0xe8: {  	[tilespmem:s26], [sflag:$0x1] =	stream.indirect.gather [hbm4b:s2+s8], $0x40, s28, s8, $0xb8;
	[tilespmem:$0xE000] =	vst v63  }
0xe9: {  	s29 =	rddreg [dreg:$0xc];
	s30 =	sadd.s32 $0x140, s20  }
0xea: {  	[tilespmem:s29], [sflag:$0x1] =	stream.indirect.gather [hbm4b:s2+s8], $0x40, s30, s8, $0xb8;
	[tilespmem:$0xE000] =	vst v63  }
0xeb: {  	s31 =	rddreg [dreg:$0xd];
	s23 =	sadd.s32 $0x160, s20  }
0xec: {  	[tilespmem:s31], [sflag:$0x1] =	stream.indirect.gather [hbm4b:s2+s8], $0x40, s23, s8, $0xb8;
	[tilespmem:$0xE000] =	vst v63  }
0xed: {  	s24 =	rddreg [dreg:$0xe];
	s25 =	sadd.s32 $0x180, s20  }
0xee: {  	[tilespmem:s24], [sflag:$0x1] =	stream.indirect.gather [hbm4b:s2+s8], $0x40, s25, s8, $0xb8;
	[tilespmem:$0xE000] =	vst v63  }
0xef: {  	s26 =	rddreg [dreg:$0xf];
	s28 =	sadd.s32 $0x1A0, s20  }
0xf0: {  	[tilespmem:s26], [sflag:$0x1] =	stream.indirect.gather [hbm4b:s2+s8], $0x40, s28, s8, $0xb8;
	[tilespmem:$0xE000] =	vst v63  }
0xf1: {  	s29 =	rddreg [dreg:$0x10];
	s30 =	sadd.s32 $0x1C0, s20  }
0xf2: {  	[tilespmem:s29], [sflag:$0x1] =	stream.indirect.gather [hbm4b:s2+s8], $0x40, s30, s8, $0xb8;
	[tilespmem:$0xE000] =	vst v63  }
0xf3: {  	s31 =	rddreg [dreg:$0x11];
	s23 =	simm.s32 @!p1 $0x4;
	s24 =	sadd.s32 $0x1E0, s20  }
0xf4: {  	[tilespmem:s31], [sflag:$0x1] =	stream.indirect.gather [hbm4b:s2+s8], $0x40, s24, s8, $0xb8;
	[tilespmem:$0xE000] =	vst v63  }
0xf5: {  	_ =	swait.ge @!p1 [sflag:s23], $0x6800  }
0xf6: {  	[sflag:s23] =	ssyncset.done @!p1 $0x0  }
0xf7: {  	s25 =	sadd.s32 $0x200, s20;
	s26 =	rddreg [dreg:$0x12];
	[sflag:s23] =	ssyncadd.s32 @!p1 $0xFFFF9800  }
0xf8: {  	[tilespmem:s10], [sflag:$0x2] =	stream.indirect.gather [hbm4b:s2+s8], $0x40, s25, s8, $0xb8;
	[tilespmem:$0xE000] =	vst v63  }
0xf9: {  	s28 =	sadd.s32 $0x220, s20;
	s29 =	rddreg [dreg:$0x13]  }
0xfa: {  	[tilespmem:s26], [sflag:$0x2] =	stream.indirect.gather [hbm4b:s2+s8], $0x40, s28, s8, $0xb8;
	[tilespmem:$0xE000] =	vst v63  }
0xfb: {  	s30 =	sadd.s32 $0x240, s20;
	s31 =	rddreg [dreg:$0x14]  }
0xfc: {  	[tilespmem:s29], [sflag:$0x2] =	stream.indirect.gather [hbm4b:s2+s8], $0x40, s30, s8, $0xb8;
	[tilespmem:$0xE000] =	vst v63  }
0xfd: {  	s24 =	rddreg [dreg:$0x15];
	s23 =	sadd.s32 $0x260, s20  }
0xfe: {  	[tilespmem:s31], [sflag:$0x2] =	stream.indirect.gather [hbm4b:s2+s8], $0x40, s23, s8, $0xb8;
	[tilespmem:$0xE000] =	vst v63  }
0xff: {  	s25 =	sadd.s32 $0x280, s20;
	s26 =	rddreg [dreg:$0x16]  }
0x100: {  	[tilespmem:s24], [sflag:$0x2] =	stream.indirect.gather [hbm4b:s2+s8], $0x40, s25, s8, $0xb8;
	[tilespmem:$0xE000] =	vst v63  }
0x101: {  	s28 =	sadd.s32 $0x2A0, s20;
	s29 =	rddreg [dreg:$0x17]  }
0x102: {  	[tilespmem:s26], [sflag:$0x2] =	stream.indirect.gather [hbm4b:s2+s8], $0x40, s28, s8, $0xb8;
	[tilespmem:$0xE000] =	vst v63  }
0x103: {  	s30 =	sadd.s32 $0x2C0, s20;
	s31 =	rddreg [dreg:$0x18]  }
0x104: {  	[tilespmem:s29], [sflag:$0x2] =	stream.indirect.gather [hbm4b:s2+s8], $0x40, s30, s8, $0xb8;
	[tilespmem:$0xE000] =	vst v63  }
0x105: {  	s23 =	sadd.s32 $0x2E0, s20;
	s24 =	rddreg [dreg:$0x19]  }
0x106: {  	[tilespmem:s31], [sflag:$0x2] =	stream.indirect.gather [hbm4b:s2+s8], $0x40, s23, s8, $0xb8;
	[tilespmem:$0xE000] =	vst v63  }
0x107: {  	s25 =	sadd.s32 $0x300, s20;
	s26 =	rddreg [dreg:$0x1a]  }
0x108: {  	[tilespmem:s24], [sflag:$0x2] =	stream.indirect.gather [hbm4b:s2+s8], $0x40, s25, s8, $0xb8;
	[tilespmem:$0xE000] =	vst v63  }
0x109: {  	s28 =	sadd.s32 $0x320, s20;
	s29 =	rddreg [dreg:$0x1b]  }
0x10a: {  	[tilespmem:s26], [sflag:$0x2] =	stream.indirect.gather [hbm4b:s2+s8], $0x40, s28, s8, $0xb8;
	[tilespmem:$0xE000] =	vst v63  }
0x10b: {  	s30 =	sadd.s32 $0x340, s20;
	s31 =	rddreg [dreg:$0x1c]  }
0x10c: {  	[tilespmem:s29], [sflag:$0x2] =	stream.indirect.gather [hbm4b:s2+s8], $0x40, s30, s8, $0xb8;
	[tilespmem:$0xE000] =	vst v63  }
0x10d: {  	s23 =	sadd.s32 $0x360, s20;
	s24 =	rddreg [dreg:$0x1d]  }
0x10e: {  	[tilespmem:s31], [sflag:$0x2] =	stream.indirect.gather [hbm4b:s2+s8], $0x40, s23, s8, $0xb8;
	[tilespmem:$0xE000] =	vst v63  }
0x10f: {  	s25 =	sadd.s32 $0x380, s20;
	s26 =	rddreg [dreg:$0x1e]  }
0x110: {  	[tilespmem:s24], [sflag:$0x2] =	stream.indirect.gather [hbm4b:s2+s8], $0x40, s25, s8, $0xb8;
	[tilespmem:$0xE000] =	vst v63  }
0x111: {  	s28 =	sadd.s32 $0x3A0, s20;
	s29 =	rddreg [dreg:$0x1f]  }
0x112: {  	[tilespmem:s26], [sflag:$0x2] =	stream.indirect.gather [hbm4b:s2+s8], $0x40, s28, s8, $0xb8;
	[tilespmem:$0xE000] =	vst v63  }
0x113: {  	s30 =	sadd.s32 $0x3C0, s20;
	s31 =	sld [smem:$0x7FD]  }
0x114: {  	[tilespmem:s29], [sflag:$0x2] =	stream.indirect.gather [hbm4b:s2+s8], $0x40, s30, s8, $0xb8;
	[tilespmem:$0xE000] =	vst v63  }
0x115: {  	s20 =	sadd.s32 $0x3E0, s20  }
0x116: {  	[tilespmem:s31], [sflag:$0x2] =	stream.indirect.gather [hbm4b:s2+s8], $0x40, s20, s8, $0xb8;
	[tilespmem:$0xE000] =	vst v63  }
0x117: {  	_ =	swait.ge [sflag:s11], $0x680  }
0x118: {  	[sflag:s11] =	ssyncset.done $0x0  }
0x119: {  	[sflag:s11] =	ssyncadd.s32 $0xFFFFF980  }
0x11a: {  	_ =	swait.ge [sflag:s11], $0x680  }
0x11b: {  	[sflag:s11] =	ssyncset.done $0x0  }
0x11c: {  	[sflag:s11] =	ssyncadd.s32 $0xFFFFF980  }
0x11d: {  	_ =	swait.ge [sflag:s11], $0x680  }
0x11e: {  	[sflag:s11] =	ssyncset.done $0x0  }
0x11f: {  	[sflag:s11] =	ssyncadd.s32 $0xFFFFF980  }
0x120: {  	_ =	swait.ge [sflag:s11], $0x680  }
0x121: {  	[sflag:s11] =	ssyncset.done $0x0  }
0x122: {  	[sflag:s11] =	ssyncadd.s32 $0xFFFFF980  }
0x123: {  	_ =	swait.ge [sflag:s11], $0x680  }
0x124: {  	[sflag:s11] =	ssyncset.done $0x0  }
0x125: {  	[sflag:s11] =	ssyncadd.s32 $0xFFFFF980  }
0x126: {  	_ =	swait.ge [sflag:s11], $0x680  }
0x127: {  	[sflag:s11] =	ssyncset.done $0x0  }
0x128: {  	[sflag:s11] =	ssyncadd.s32 $0xFFFFF980  }
0x129: {  	_ =	swait.ge [sflag:s11], $0x680  }
0x12a: {  	[sflag:s11] =	ssyncset.done $0x0  }
0x12b: {  	[sflag:s11] =	ssyncadd.s32 $0xFFFFF980  }
0x12c: {  	_ =	swait.ge [sflag:s11], $0x680  }
0x12d: {  	[sflag:s11] =	ssyncset.done $0x0  }
0x12e: {  	[sflag:s11] =	ssyncadd.s32 $0xFFFFF980  }
0x12f: {  	_ =	swait.ge [sflag:s11], $0x680  }
0x130: {  	[sflag:s11] =	ssyncset.done $0x0  }
0x131: {  	[sflag:s11] =	ssyncadd.s32 $0xFFFFF980  }
0x132: {  	_ =	swait.ge [sflag:s11], $0x680  }
0x133: {  	[sflag:s11] =	ssyncset.done $0x0  }
0x134: {  	[sflag:s11] =	ssyncadd.s32 $0xFFFFF980  }
0x135: {  	_ =	swait.ge [sflag:s11], $0x680  }
0x136: {  	[sflag:s11] =	ssyncset.done $0x0  }
0x137: {  	[sflag:s11] =	ssyncadd.s32 $0xFFFFF980  }
0x138: {  	_ =	swait.ge [sflag:s11], $0x680  }
0x139: {  	[sflag:s11] =	ssyncset.done $0x0  }
0x13a: {  	[sflag:s11] =	ssyncadd.s32 $0xFFFFF980  }
0x13b: {  	_ =	swait.ge [sflag:s11], $0x680  }
0x13c: {  	[sflag:s11] =	ssyncset.done $0x0  }
0x13d: {  	[sflag:s11] =	ssyncadd.s32 $0xFFFFF980  }
0x13e: {  	_ =	swait.ge [sflag:s11], $0x680  }
0x13f: {  	[sflag:s11] =	ssyncset.done $0x0  }
0x140: {  	[sflag:s11] =	ssyncadd.s32 $0xFFFFF980  }
0x141: {  	_ =	swait.ge [sflag:s11], $0x680  }
0x142: {  	[sflag:s11] =	ssyncset.done $0x0  }
0x143: {  	[sflag:s11] =	ssyncadd.s32 $0xFFFFF980  }
0x144: {  	_ =	swait.ge [sflag:s11], $0x680  }
0x145: {  	[sflag:s11] =	ssyncset.done $0x0  }
0x146: {  	[sflag:s11] =	ssyncadd.s32 $0xFFFFF980  }
0x147: {  	[hbm4b:s16+s1] =	stream.linear.scatter [tilespmem:s9], [sflag:$0x3], $0x6800, $0x38;
	[tilespmem:$0xE000] =	vst v63  }
0x148: {  	_ =	swait.ge [sflag:s12], $0x680  }
0x149: {  	[sflag:s12] =	ssyncset.done $0x0  }
0x14a: {  	[sflag:s12] =	ssyncadd.s32 $0xFFFFF980  }
0x14b: {  	_ =	swait.ge [sflag:s12], $0x680  }
0x14c: {  	[sflag:s12] =	ssyncset.done $0x0  }
0x14d: {  	[sflag:s12] =	ssyncadd.s32 $0xFFFFF980  }
0x14e: {  	_ =	swait.ge [sflag:s12], $0x680  }
0x14f: {  	[sflag:s12] =	ssyncset.done $0x0  }
0x150: {  	[sflag:s12] =	ssyncadd.s32 $0xFFFFF980  }
0x151: {  	_ =	swait.ge [sflag:s12], $0x680  }
0x152: {  	[sflag:s12] =	ssyncset.done $0x0  }
0x153: {  	[sflag:s12] =	ssyncadd.s32 $0xFFFFF980  }
0x154: {  	_ =	swait.ge [sflag:s12], $0x680  }
0x155: {  	[sflag:s12] =	ssyncset.done $0x0  }
0x156: {  	[sflag:s12] =	ssyncadd.s32 $0xFFFFF980  }
0x157: {  	_ =	swait.ge [sflag:s12], $0x680  }
0x158: {  	[sflag:s12] =	ssyncset.done $0x0  }
0x159: {  	[sflag:s12] =	ssyncadd.s32 $0xFFFFF980  }
0x15a: {  	_ =	swait.ge [sflag:s12], $0x680  }
0x15b: {  	[sflag:s12] =	ssyncset.done $0x0  }
0x15c: {  	[sflag:s12] =	ssyncadd.s32 $0xFFFFF980  }
0x15d: {  	_ =	swait.ge [sflag:s12], $0x680  }
0x15e: {  	[sflag:s12] =	ssyncset.done $0x0  }
0x15f: {  	[sflag:s12] =	ssyncadd.s32 $0xFFFFF980  }
0x160: {  	_ =	swait.ge [sflag:s12], $0x680  }
0x161: {  	[sflag:s12] =	ssyncset.done $0x0  }
0x162: {  	[sflag:s12] =	ssyncadd.s32 $0xFFFFF980  }
0x163: {  	_ =	swait.ge [sflag:s12], $0x680  }
0x164: {  	[sflag:s12] =	ssyncset.done $0x0  }
0x165: {  	[sflag:s12] =	ssyncadd.s32 $0xFFFFF980  }
0x166: {  	_ =	swait.ge [sflag:s12], $0x680  }
0x167: {  	[sflag:s12] =	ssyncset.done $0x0  }
0x168: {  	[sflag:s12] =	ssyncadd.s32 $0xFFFFF980  }
0x169: {  	_ =	swait.ge [sflag:s12], $0x680  }
0x16a: {  	[sflag:s12] =	ssyncset.done $0x0  }
0x16b: {  	[sflag:s12] =	ssyncadd.s32 $0xFFFFF980  }
0x16c: {  	_ =	swait.ge [sflag:s12], $0x680  }
0x16d: {  	[sflag:s12] =	ssyncset.done $0x0  }
0x16e: {  	[sflag:s12] =	ssyncadd.s32 $0xFFFFF980  }
0x16f: {  	_ =	swait.ge [sflag:s12], $0x680  }
0x170: {  	s22 =	smov.u32 s18;
	s18 =	sadd.s32 $0x1000, s18;
	[sflag:s12] =	ssyncset.done $0x0  }
0x171: {  	p0 =	sne.s32 s18, $0x4000;
	[sflag:s12] =	ssyncadd.s32 $0xFFFFF980  }
.Ltmp0:
0x172: {  	_ =	swait.ge [sflag:s12], $0x680;
	(pc) =	sbr.rel @p0 .LBB2_2-.Ltmp0, $4  }
0x173: {  	[sflag:s12] =	ssyncset.done $0x0  }
0x174: {  	s17 =	smov.u32 s22;
	[sflag:s12] =	ssyncadd.s32 $0xFFFFF980  }
0x175: {  	s19 =	smov.u32 s16;
	p1 =	seq.s32 s17, $0x0;
	_ =	swait.ge [sflag:s12], $0x680  }
0x176: {  	s20 =	sadd.s32 $0xD00, s19;
	s16 =	sadd.s32 $0x1A00, s16;
	[sflag:s12] =	ssyncset.done $0x0  }
0x177: {  	s18 =	simm.s32 @!p1 $0x3;
	[sflag:s12] =	ssyncadd.s32 $0xFFFFF980  }
0x178: {  	[hbm4b:s20+s1] =	stream.linear.scatter [tilespmem:s10], [sflag:$0x4], $0x6800, $0x38;
	[tilespmem:$0xE000] =	vst v63  }
0x179: {  	_ =	swait.ge @!p1 [sflag:s18], $0x6800  }
0x17a: {  	[sflag:s18] =	ssyncset.done @!p1 $0x0  }
0x17b: {  	s17 =	sshra.s32 s17, $0x2;
	[sflag:s18] =	ssyncadd.s32 @!p1 $0xFFFF9800  }
0x17c: {  	[tilespmem:s9], [sflag:$0x1] =	stream.indirect.gather [hbm4b:s2+s8], $0x40, s17, s8, $0xb8;
	[tilespmem:$0xE000] =	vst v63  }
0x17d: {  	s19 =	sadd.s32 $0x20, s17;
	s23 =	rddreg [dreg:$0x3]  }
0x17e: {  	[tilespmem:s23], [sflag:$0x1] =	stream.indirect.gather [hbm4b:s2+s8], $0x40, s19, s8, $0xb8;
	[tilespmem:$0xE000] =	vst v63  }
0x17f: {  	s25 =	sadd.s32 $0x40, s17;
	s24 =	rddreg [dreg:$0x4]  }
0x180: {  	[tilespmem:s24], [sflag:$0x1] =	stream.indirect.gather [hbm4b:s2+s8], $0x40, s25, s8, $0xb8;
	[tilespmem:$0xE000] =	vst v63  }
0x181: {  	s28 =	sadd.s32 $0x60, s17;
	s26 =	rddreg [dreg:$0x5]  }
0x182: {  	[tilespmem:s26], [sflag:$0x1] =	stream.indirect.gather [hbm4b:s2+s8], $0x40, s28, s8, $0xb8;
	[tilespmem:$0xE000] =	vst v63  }
0x183: {  	s30 =	sadd.s32 $0x80, s17;
	s29 =	rddreg [dreg:$0x6]  }
0x184: {  	[tilespmem:s29], [sflag:$0x1] =	stream.indirect.gather [hbm4b:s2+s8], $0x40, s30, s8, $0xb8;
	[tilespmem:$0xE000] =	vst v63  }
0x185: {  	s21 =	sadd.s32 $0xA0, s17;
	s31 =	rddreg [dreg:$0x7]  }
0x186: {  	[tilespmem:s31], [sflag:$0x1] =	stream.indirect.gather [hbm4b:s2+s8], $0x40, s21, s8, $0xb8;
	[tilespmem:$0xE000] =	vst v63  }
0x187: {  	s22 =	rddreg [dreg:$0x8];
	s23 =	sadd.s32 $0xC0, s17  }
0x188: {  	[tilespmem:s22], [sflag:$0x1] =	stream.indirect.gather [hbm4b:s2+s8], $0x40, s23, s8, $0xb8;
	[tilespmem:$0xE000] =	vst v63  }
0x189: {  	s24 =	rddreg [dreg:$0x9];
	s25 =	sadd.s32 $0xE0, s17  }
0x18a: {  	[tilespmem:s24], [sflag:$0x1] =	stream.indirect.gather [hbm4b:s2+s8], $0x40, s25, s8, $0xb8;
	[tilespmem:$0xE000] =	vst v63  }
0x18b: {  	s26 =	rddreg [dreg:$0xa];
	s28 =	sadd.s32 $0x100, s17  }
0x18c: {  	[tilespmem:s26], [sflag:$0x1] =	stream.indirect.gather [hbm4b:s2+s8], $0x40, s28, s8, $0xb8;
	[tilespmem:$0xE000] =	vst v63  }
0x18d: {  	s29 =	rddreg [dreg:$0xb];
	s30 =	sadd.s32 $0x120, s17  }
0x18e: {  	[tilespmem:s29], [sflag:$0x1] =	stream.indirect.gather [hbm4b:s2+s8], $0x40, s30, s8, $0xb8;
	[tilespmem:$0xE000] =	vst v63  }
0x18f: {  	s19 =	sadd.s32 $0x140, s17;
	s31 =	rddreg [dreg:$0xc]  }
0x190: {  	[tilespmem:s31], [sflag:$0x1] =	stream.indirect.gather [hbm4b:s2+s8], $0x40, s19, s8, $0xb8;
	[tilespmem:$0xE000] =	vst v63  }
0x191: {  	s21 =	rddreg [dreg:$0xd];
	s22 =	sadd.s32 $0x160, s17  }
0x192: {  	[tilespmem:s21], [sflag:$0x1] =	stream.indirect.gather [hbm4b:s2+s8], $0x40, s22, s8, $0xb8;
	[tilespmem:$0xE000] =	vst v63  }
0x193: {  	s23 =	rddreg [dreg:$0xe];
	s24 =	sadd.s32 $0x180, s17  }
0x194: {  	[tilespmem:s23], [sflag:$0x1] =	stream.indirect.gather [hbm4b:s2+s8], $0x40, s24, s8, $0xb8;
	[tilespmem:$0xE000] =	vst v63  }
0x195: {  	s25 =	rddreg [dreg:$0xf];
	s26 =	sadd.s32 $0x1A0, s17  }
0x196: {  	[tilespmem:s25], [sflag:$0x1] =	stream.indirect.gather [hbm4b:s2+s8], $0x40, s26, s8, $0xb8;
	[tilespmem:$0xE000] =	vst v63  }
0x197: {  	s28 =	rddreg [dreg:$0x10];
	s29 =	sadd.s32 $0x1C0, s17  }
0x198: {  	[tilespmem:s28], [sflag:$0x1] =	stream.indirect.gather [hbm4b:s2+s8], $0x40, s29, s8, $0xb8;
	[tilespmem:$0xE000] =	vst v63  }
0x199: {  	s20 =	simm.s32 @!p1 $0x4;
	s30 =	rddreg [dreg:$0x11];
	s31 =	sadd.s32 $0x1E0, s17  }
0x19a: {  	[tilespmem:s30], [sflag:$0x1] =	stream.indirect.gather [hbm4b:s2+s8], $0x40, s31, s8, $0xb8;
	[tilespmem:$0xE000] =	vst v63  }
0x19b: {  	_ =	swait.ge @!p1 [sflag:s20], $0x6800  }
0x19c: {  	[sflag:s20] =	ssyncset.done @!p1 $0x0  }
0x19d: {  	s21 =	sadd.s32 $0x200, s17;
	s22 =	rddreg [dreg:$0x12];
	[sflag:s20] =	ssyncadd.s32 @!p1 $0xFFFF9800  }
0x19e: {  	[tilespmem:s10], [sflag:$0x2] =	stream.indirect.gather [hbm4b:s2+s8], $0x40, s21, s8, $0xb8;
	[tilespmem:$0xE000] =	vst v63  }
0x19f: {  	s23 =	sadd.s32 $0x220, s17;
	s24 =	rddreg [dreg:$0x13]  }
0x1a0: {  	[tilespmem:s22], [sflag:$0x2] =	stream.indirect.gather [hbm4b:s2+s8], $0x40, s23, s8, $0xb8;
	[tilespmem:$0xE000] =	vst v63  }
0x1a1: {  	s25 =	sadd.s32 $0x240, s17;
	s26 =	rddreg [dreg:$0x14]  }
0x1a2: {  	[tilespmem:s24], [sflag:$0x2] =	stream.indirect.gather [hbm4b:s2+s8], $0x40, s25, s8, $0xb8;
	[tilespmem:$0xE000] =	vst v63  }
0x1a3: {  	s28 =	sadd.s32 $0x260, s17;
	s29 =	rddreg [dreg:$0x15]  }
0x1a4: {  	[tilespmem:s26], [sflag:$0x2] =	stream.indirect.gather [hbm4b:s2+s8], $0x40, s28, s8, $0xb8;
	[tilespmem:$0xE000] =	vst v63  }
0x1a5: {  	s30 =	sadd.s32 $0x280, s17;
	s31 =	rddreg [dreg:$0x16]  }
0x1a6: {  	[tilespmem:s29], [sflag:$0x2] =	stream.indirect.gather [hbm4b:s2+s8], $0x40, s30, s8, $0xb8;
	[tilespmem:$0xE000] =	vst v63  }
0x1a7: {  	s21 =	sadd.s32 $0x2A0, s17;
	s22 =	rddreg [dreg:$0x17]  }
0x1a8: {  	[tilespmem:s31], [sflag:$0x2] =	stream.indirect.gather [hbm4b:s2+s8], $0x40, s21, s8, $0xb8;
	[tilespmem:$0xE000] =	vst v63  }
0x1a9: {  	s23 =	sadd.s32 $0x2C0, s17;
	s24 =	rddreg [dreg:$0x18]  }
0x1aa: {  	[tilespmem:s22], [sflag:$0x2] =	stream.indirect.gather [hbm4b:s2+s8], $0x40, s23, s8, $0xb8;
	[tilespmem:$0xE000] =	vst v63  }
0x1ab: {  	s25 =	sadd.s32 $0x2E0, s17;
	s26 =	rddreg [dreg:$0x19]  }
0x1ac: {  	[tilespmem:s24], [sflag:$0x2] =	stream.indirect.gather [hbm4b:s2+s8], $0x40, s25, s8, $0xb8;
	[tilespmem:$0xE000] =	vst v63  }
0x1ad: {  	s28 =	sadd.s32 $0x300, s17;
	s29 =	rddreg [dreg:$0x1a]  }
0x1ae: {  	[tilespmem:s26], [sflag:$0x2] =	stream.indirect.gather [hbm4b:s2+s8], $0x40, s28, s8, $0xb8;
	[tilespmem:$0xE000] =	vst v63  }
0x1af: {  	s30 =	sadd.s32 $0x320, s17;
	s31 =	rddreg [dreg:$0x1b]  }
0x1b0: {  	[tilespmem:s29], [sflag:$0x2] =	stream.indirect.gather [hbm4b:s2+s8], $0x40, s30, s8, $0xb8;
	[tilespmem:$0xE000] =	vst v63  }
0x1b1: {  	s19 =	sadd.s32 $0x340, s17;
	s21 =	rddreg [dreg:$0x1c]  }
0x1b2: {  	[tilespmem:s31], [sflag:$0x2] =	stream.indirect.gather [hbm4b:s2+s8], $0x40, s19, s8, $0xb8;
	[tilespmem:$0xE000] =	vst v63  }
0x1b3: {  	s22 =	sadd.s32 $0x360, s17;
	s23 =	rddreg [dreg:$0x1d]  }
0x1b4: {  	[tilespmem:s21], [sflag:$0x2] =	stream.indirect.gather [hbm4b:s2+s8], $0x40, s22, s8, $0xb8;
	[tilespmem:$0xE000] =	vst v63  }
0x1b5: {  	s24 =	sadd.s32 $0x380, s17;
	s25 =	rddreg [dreg:$0x1e]  }
0x1b6: {  	[tilespmem:s23], [sflag:$0x2] =	stream.indirect.gather [hbm4b:s2+s8], $0x40, s24, s8, $0xb8;
	[tilespmem:$0xE000] =	vst v63  }
0x1b7: {  	s26 =	sadd.s32 $0x3A0, s17;
	s28 =	rddreg [dreg:$0x1f]  }
0x1b8: {  	[tilespmem:s25], [sflag:$0x2] =	stream.indirect.gather [hbm4b:s2+s8], $0x40, s26, s8, $0xb8;
	[tilespmem:$0xE000] =	vst v63  }
0x1b9: {  	s29 =	sadd.s32 $0x3C0, s17;
	s30 =	sld [smem:$0x7FD]  }
0x1ba: {  	[tilespmem:s28], [sflag:$0x2] =	stream.indirect.gather [hbm4b:s2+s8], $0x40, s29, s8, $0xb8;
	[tilespmem:$0xE000] =	vst v63  }
0x1bb: {  	s17 =	sadd.s32 $0x3E0, s17  }
0x1bc: {  	[tilespmem:s30], [sflag:$0x2] =	stream.indirect.gather [hbm4b:s2+s8], $0x40, s17, s8, $0xb8;
	[tilespmem:$0xE000] =	vst v63  }
0x1bd: {  	_ =	swait.ge [sflag:s11], $0x680  }
0x1be: {  	[sflag:s11] =	ssyncset.done $0x0  }
0x1bf: {  	[sflag:s11] =	ssyncadd.s32 $0xFFFFF980  }
0x1c0: {  	_ =	swait.ge [sflag:s11], $0x680  }
0x1c1: {  	[sflag:s11] =	ssyncset.done $0x0  }
0x1c2: {  	[sflag:s11] =	ssyncadd.s32 $0xFFFFF980  }
0x1c3: {  	_ =	swait.ge [sflag:s11], $0x680  }
0x1c4: {  	[sflag:s11] =	ssyncset.done $0x0  }
0x1c5: {  	[sflag:s11] =	ssyncadd.s32 $0xFFFFF980  }
0x1c6: {  	_ =	swait.ge [sflag:s11], $0x680  }
0x1c7: {  	[sflag:s11] =	ssyncset.done $0x0  }
0x1c8: {  	[sflag:s11] =	ssyncadd.s32 $0xFFFFF980  }
0x1c9: {  	_ =	swait.ge [sflag:s11], $0x680  }
0x1ca: {  	[sflag:s11] =	ssyncset.done $0x0  }
0x1cb: {  	[sflag:s11] =	ssyncadd.s32 $0xFFFFF980  }
0x1cc: {  	_ =	swait.ge [sflag:s11], $0x680  }
0x1cd: {  	[sflag:s11] =	ssyncset.done $0x0  }
0x1ce: {  	[sflag:s11] =	ssyncadd.s32 $0xFFFFF980  }
0x1cf: {  	_ =	swait.ge [sflag:s11], $0x680  }
0x1d0: {  	[sflag:s11] =	ssyncset.done $0x0  }
0x1d1: {  	[sflag:s11] =	ssyncadd.s32 $0xFFFFF980  }
0x1d2: {  	_ =	swait.ge [sflag:s11], $0x680  }
0x1d3: {  	[sflag:s11] =	ssyncset.done $0x0  }
0x1d4: {  	[sflag:s11] =	ssyncadd.s32 $0xFFFFF980  }
0x1d5: {  	_ =	swait.ge [sflag:s11], $0x680  }
0x1d6: {  	[sflag:s11] =	ssyncset.done $0x0  }
0x1d7: {  	[sflag:s11] =	ssyncadd.s32 $0xFFFFF980  }
0x1d8: {  	_ =	swait.ge [sflag:s11], $0x680  }
0x1d9: {  	[sflag:s11] =	ssyncset.done $0x0  }
0x1da: {  	[sflag:s11] =	ssyncadd.s32 $0xFFFFF980  }
0x1db: {  	_ =	swait.ge [sflag:s11], $0x680  }
0x1dc: {  	[sflag:s11] =	ssyncset.done $0x0  }
0x1dd: {  	[sflag:s11] =	ssyncadd.s32 $0xFFFFF980  }
0x1de: {  	_ =	swait.ge [sflag:s11], $0x680  }
0x1df: {  	[sflag:s11] =	ssyncset.done $0x0  }
0x1e0: {  	[sflag:s11] =	ssyncadd.s32 $0xFFFFF980  }
0x1e1: {  	_ =	swait.ge [sflag:s11], $0x680  }
0x1e2: {  	[sflag:s11] =	ssyncset.done $0x0  }
0x1e3: {  	[sflag:s11] =	ssyncadd.s32 $0xFFFFF980  }
0x1e4: {  	_ =	swait.ge [sflag:s11], $0x680  }
0x1e5: {  	[sflag:s11] =	ssyncset.done $0x0  }
0x1e6: {  	[sflag:s11] =	ssyncadd.s32 $0xFFFFF980  }
0x1e7: {  	_ =	swait.ge [sflag:s11], $0x680  }
0x1e8: {  	[sflag:s11] =	ssyncset.done $0x0  }
0x1e9: {  	[sflag:s11] =	ssyncadd.s32 $0xFFFFF980  }
0x1ea: {  	_ =	swait.ge [sflag:s11], $0x680  }
0x1eb: {  	[sflag:s11] =	ssyncset.done $0x0  }
0x1ec: {  	[sflag:s11] =	ssyncadd.s32 $0xFFFFF980  }
0x1ed: {  	[hbm4b:s16+s1] =	stream.linear.scatter [tilespmem:s9], [sflag:$0x3], $0x6800, $0x38;
	[tilespmem:$0xE000] =	vst v63  }
0x1ee: {  	_ =	swait.ge [sflag:s12], $0x680  }
0x1ef: {  	[sflag:s12] =	ssyncset.done $0x0  }
0x1f0: {  	[sflag:s12] =	ssyncadd.s32 $0xFFFFF980  }
0x1f1: {  	_ =	swait.ge [sflag:s12], $0x680  }
0x1f2: {  	[sflag:s12] =	ssyncset.done $0x0  }
0x1f3: {  	[sflag:s12] =	ssyncadd.s32 $0xFFFFF980  }
0x1f4: {  	_ =	swait.ge [sflag:s12], $0x680  }
0x1f5: {  	[sflag:s12] =	ssyncset.done $0x0  }
0x1f6: {  	[sflag:s12] =	ssyncadd.s32 $0xFFFFF980  }
0x1f7: {  	_ =	swait.ge [sflag:s12], $0x680  }
0x1f8: {  	[sflag:s12] =	ssyncset.done $0x0  }
0x1f9: {  	[sflag:s12] =	ssyncadd.s32 $0xFFFFF980  }
0x1fa: {  	_ =	swait.ge [sflag:s12], $0x680  }
0x1fb: {  	[sflag:s12] =	ssyncset.done $0x0  }
0x1fc: {  	[sflag:s12] =	ssyncadd.s32 $0xFFFFF980  }
0x1fd: {  	_ =	swait.ge [sflag:s12], $0x680  }
0x1fe: {  	[sflag:s12] =	ssyncset.done $0x0  }
0x1ff: {  	[sflag:s12] =	ssyncadd.s32 $0xFFFFF980  }
0x200: {  	_ =	swait.ge [sflag:s12], $0x680  }
0x201: {  	[sflag:s12] =	ssyncset.done $0x0  }
0x202: {  	[sflag:s12] =	ssyncadd.s32 $0xFFFFF980  }
0x203: {  	_ =	swait.ge [sflag:s12], $0x680  }
0x204: {  	[sflag:s12] =	ssyncset.done $0x0  }
0x205: {  	[sflag:s12] =	ssyncadd.s32 $0xFFFFF980  }
0x206: {  	_ =	swait.ge [sflag:s12], $0x680  }
0x207: {  	[sflag:s12] =	ssyncset.done $0x0  }
0x208: {  	[sflag:s12] =	ssyncadd.s32 $0xFFFFF980  }
0x209: {  	_ =	swait.ge [sflag:s12], $0x680  }
0x20a: {  	[sflag:s12] =	ssyncset.done $0x0  }
0x20b: {  	[sflag:s12] =	ssyncadd.s32 $0xFFFFF980  }
0x20c: {  	_ =	swait.ge [sflag:s12], $0x680  }
0x20d: {  	[sflag:s12] =	ssyncset.done $0x0  }
0x20e: {  	[sflag:s12] =	ssyncadd.s32 $0xFFFFF980  }
0x20f: {  	_ =	swait.ge [sflag:s12], $0x680  }
0x210: {  	[sflag:s12] =	ssyncset.done $0x0  }
0x211: {  	[sflag:s12] =	ssyncadd.s32 $0xFFFFF980  }
0x212: {  	_ =	swait.ge [sflag:s12], $0x680  }
0x213: {  	[sflag:s12] =	ssyncset.done $0x0  }
0x214: {  	[sflag:s12] =	ssyncadd.s32 $0xFFFFF980  }
0x215: {  	_ =	swait.ge [sflag:s12], $0x680  }
0x216: {  	[sflag:s12] =	ssyncset.done $0x0  }
0x217: {  	[sflag:s12] =	ssyncadd.s32 $0xFFFFF980  }
0x218: {  	_ =	swait.ge [sflag:s12], $0x680  }
0x219: {  	[sflag:s12] =	ssyncset.done $0x0  }
0x21a: {  	[sflag:s12] =	ssyncadd.s32 $0xFFFFF980  }
0x21b: {  	_ =	swait.ge [sflag:s12], $0x680  }
0x21c: {  	[sflag:s12] =	ssyncset.done $0x0  }
0x21d: {  	s15 =	sadd.s32 $0x1, s15;
	s31 =	sadd.s32 $0xD00, s16;
	[sflag:s12] =	ssyncadd.s32 $0xFFFFF980  }
0x21e: {  	[hbm4b:s31+s1] =	stream.linear.scatter [tilespmem:s10], [sflag:$0x4], $0x6800, $0x38;
	[tilespmem:$0xE000] =	vst v63  }
0x21f: {  	p0 =	sne.s32 s15, s5;
	_ =	swait.ge [sflag:s13], $0x6800  }
.Ltmp1:
0x220: {  	[sflag:s13] =	ssyncset.done $0x0;
	(pc) =	sbr.rel @p0 .LBB2_1-.Ltmp1, $4  }
0x221: {  	[sflag:s13] =	ssyncadd.s32 $0xFFFF9800  }
0x222: {  	_ =	swait.ge [sflag:s14], $0x6800  }
0x223: {  	[sflag:s14] =	ssyncset.done $0x0  }
0x224: {  	[sflag:s14] =	ssyncadd.s32 $0xFFFF9800  }
0x225: {  	_ =	sfence.sel $0x180000  }
0x226: {  	[bflag:$0x0] =	sbarrier.arrive $0xFFFF  }
0x227: {  	p0 =	sne.s32 s3, $0x0;
	_ =	strace $0x90000047  }
0x228: {  	s0 =	sadd.s32 @!p0 $0x100000, s0;
	[bflag:$0x2] =	sbarrier.arrive $0xFFFF  }
0x229: {  	[sflag:s0] =	ssyncadd.tile.s32 @!p0 $0x1;
	_ =	shalt  }
.Lfunc_end2:
_tile_overlayer_lowered:
.L_overlay_start_2:
0x22a: {  	(tag) =	ssettag $0x2  }
0x22b: {  	s0 =	rddreg [dreg:$0x0];
	s2 =	stileid.u32  }
0x22c: {  	s1 =	rddreg [dreg:$0x1];
	p0 =	sne.s32 s2, $0x0  }
0x22d: {  	s3 =	rddreg [dreg:$0x2];
	[bflag:$0x3] =	sbarrier.arrive $0xFFFF;
	s2 =	simm.s32 @!p0 $0x1C05  }
0x22e: {  	[timem:s3], [sflag:s2] =	dma.local @!p0 [hbm:s0], s1  }
0x22f: {  	s0 =	simm.s32 @!p0 $0x5  }
0x230: {  	_ =	swait.ge @!p0 [sflag:s0], s1  }
0x231: {  	s1 =	ssub.s32 @!p0 $0x0, s1;
	[sflag:s0] =	ssyncset.done @!p0 $0x0  }
0x232: {  	[sflag:s0] =	ssyncadd.s32 @!p0 s1  }
0x233: {  	[bflag:$0x3] =	sbarrier.arrive $0xFFFF  }
0x234: {  	_ =	shalt  }

</sc_bundles>
